<compile_context>
chip_gen: v7x
topology: tpu7x:2x2x1
jax: 0.10.2.dev20260603
libtpu: 0.0.44.dev20260713+nightly
codegen_flags: <defaults>
</compile_context>

<pallas_src>
import functools

import jax
import jax.numpy as jnp
from jax import lax
from jax.experimental import pallas as pl
from jax.experimental.pallas import tpu as pltpu
from jax.experimental.pallas import tpu_sc as plsc

N_Q = 4
K = 8192
D = 64
N = 8192

TILE = 256
NT = N // TILE

SC_NC = 2
SC_NS = 16
SC_L = 16
SC_NW = SC_NC * SC_NS
SC_BPW = N // SC_NW


def _stage_body(r_ref, rn_ref, cb_ref, cbn_ref, idx_ref):
    rt = r_ref[...]
    m2 = lax.dot_general(rt, cb_ref[...],
                         (((1,), (0,)), ((), ())),
                         preferred_element_type=jnp.float32)
    d2 = (rn_ref[...] - m2) + cbn_ref[...]
    idx_ref[...] = jnp.argmin(d2, axis=1, keepdims=True).astype(jnp.int32)


def _stage_tc(r, rn, cb2, cbn):
    return pl.pallas_call(
        _stage_body,
        grid=(NT,),
        in_specs=[
            pl.BlockSpec((TILE, D), lambda i: (i, 0)),
            pl.BlockSpec((TILE, 1), lambda i: (i, 0)),
            pl.BlockSpec((D, K), lambda i: (0, 0)),
            pl.BlockSpec((1, K), lambda i: (0, 0)),
        ],
        out_specs=pl.BlockSpec((TILE, 1), lambda i: (i, 0)),
        out_shape=jax.ShapeDtypeStruct((N, 1), jnp.int32),
    )(r, rn, cb2, cbn)


def _gather_update_sc(cb, idx, r):
    mesh = plsc.VectorSubcoreMesh(core_axis_name="c", subcore_axis_name="s")

    @functools.partial(
        pl.kernel,
        mesh=mesh,
        out_type=[
            jax.ShapeDtypeStruct((N, 128), jnp.float32),
            jax.ShapeDtypeStruct((N, D), jnp.float32),
        ],
        scratch_types=[
            pltpu.VMEM((SC_BPW,), jnp.int32),
            pltpu.VMEM((SC_BPW, 128), jnp.float32),
            pltpu.VMEM((SC_BPW, D), jnp.float32),
            pltpu.SemaphoreType.DMA,
        ],
    )
    def k(cb_hbm, idx_hbm, r_hbm, quant_out, rnew_out, idx_v, rows_v, r_v, sem):
        wid = lax.axis_index("s") * SC_NC + lax.axis_index("c")
        base = wid * SC_BPW
        pltpu.sync_copy(idx_hbm.at[pl.ds(base, SC_BPW)], idx_v)
        pltpu.sync_copy(r_hbm.at[pl.ds(base, SC_BPW)], r_v)
        pltpu.async_copy(cb_hbm.at[idx_v], rows_v, sem).wait()
        pltpu.sync_copy(rows_v, quant_out.at[pl.ds(base, SC_BPW)])

        def body(i, carry):
            for c in range(D // SC_L):
                q = rows_v[i, pl.ds(c * SC_L, SC_L)]
                rv = r_v[i, pl.ds(c * SC_L, SC_L)]
                t = q - rv
                qst = rv + t
                r_v[i, pl.ds(c * SC_L, SC_L)] = rv - qst
            return carry

        lax.fori_loop(0, SC_BPW, body, 0)
        pltpu.sync_copy(r_v, rnew_out.at[pl.ds(base, SC_BPW)])

    return k(cb, idx, r)


def _epilogue_body(x_ref, q0_ref, q1_ref, q2_ref, q3_ref, out_ref, loss_ref):
    r = x_ref[...]
    acc = jnp.zeros_like(r)
    sums = []
    for q_ref in (q0_ref, q1_ref, q2_ref, q3_ref):
        qv = q_ref[:, :D]
        t = qv - r
        qst = r + t
        acc = acc + qst
        r = r - qst
        sums.append(jnp.sum(t * t))
    out_ref[...] = acc
    row = lax.broadcasted_iota(jnp.int32, (8, 128), 0)
    lmat = (jnp.where(row == 0, sums[0], 0.0)
            + jnp.where(row == 1, sums[1], 0.0)
            + jnp.where(row == 2, sums[2], 0.0)
            + jnp.where(row == 3, sums[3], 0.0))

    @pl.when(pl.program_id(0) == 0)
    def _():
        loss_ref[...] = lmat

    @pl.when(pl.program_id(0) != 0)
    def _():
        loss_ref[...] += lmat


def _epilogue(x, q0, q1, q2, q3):
    tok_spec = pl.BlockSpec((TILE, D), lambda i: (i, 0))
    quant_spec = pl.BlockSpec((TILE, 128), lambda i: (i, 0))
    return pl.pallas_call(
        _epilogue_body,
        grid=(NT,),
        in_specs=[tok_spec] + [quant_spec] * 4,
        out_specs=[
            pl.BlockSpec((TILE, D), lambda i: (i, 0)),
            pl.BlockSpec((8, 128), lambda i: (0, 0)),
        ],
        out_shape=[
            jax.ShapeDtypeStruct((N, D), jnp.float32),
            jax.ShapeDtypeStruct((8, 128), jnp.float32),
        ],
    )(x, q0, q1, q2, q3)


def kernel(encoded_x, codebooks):
    x = jnp.transpose(encoded_x, (0, 3, 2, 1)).reshape(-1, encoded_x.shape[1])
    cbn = jnp.sum(codebooks * codebooks, axis=-1)
    cbp = jnp.pad(codebooks, ((0, 0), (0, 0), (0, 128 - D)))
    r = x
    idxs = []
    quants = []
    for q in range(N_Q):
        rn = jnp.sum(r * r, axis=1, keepdims=True)
        idx2 = _stage_tc(r, rn, (2.0 * codebooks[q]).T, cbn[q].reshape(1, K))
        idx = idx2.reshape(N)
        quant, r = _gather_update_sc(cbp[q], idx, r)
        idxs.append(idx)
        quants.append(quant)
    qout, loss_mat = _epilogue(x, *quants)
    indices = jnp.stack(idxs, axis=-1)
    losses = loss_mat[:N_Q, 0] / jnp.float32(N * D)
    return qout, indices, losses

# --- scband reference (transcript-rebuilt; emitter-appended) ---
"""Pipeline reference for scband-base-rvq-53618371723759 (READ-ONLY COPY).

The authoritative reference and input builder live on the scoring server;
editing this copy changes nothing except your own understanding.
"""

import jax, jax.numpy as jnp
import numpy as np

N_CODEBOOKS = 4
CODEBOOK_SIZE = 8192
DIM = 64
B, C, H, W = 8, 64, 32, 32


def setup_inputs(seed: int = 0) -> dict:
    key = jax.random.key(seed)
    k1, k2 = jax.random.split(key)
    encoded_x = jax.random.normal(k1, (B, C, H, W), dtype=jnp.float32)
    # learned parameters: one codebook per residual quantizer, [K, code_dim]
    codebooks = jax.random.normal(k2, (N_CODEBOOKS, CODEBOOK_SIZE, DIM), dtype=jnp.float32)
    return {"encoded_x": encoded_x, "codebooks": codebooks}


def _quantize_one(residual, cb):
    # squared L2 distances [N, K]
    d2 = (jnp.sum(residual * residual, axis=1, keepdims=True)
          - 2.0 * (residual @ cb.T)
          + jnp.sum(cb * cb, axis=1)[None, :])
    idx = jnp.argmin(d2, axis=1)
    quant = jnp.take(cb, idx, axis=0)
    # straight-through estimator
    quant_st = residual + jax.lax.stop_gradient(quant - residual)
    # commitment loss (codebook held fixed / EMA-updated)
    loss = jnp.mean((jax.lax.stop_gradient(quant) - residual) ** 2)
    return quant_st, idx, loss


def reference(encoded_x, codebooks):
    # BaseRVQ.quantize: x.transpose(1, 3).flatten(0, 2) -> [B*W*H, C]
    x_in = jnp.transpose(encoded_x, (0, 3, 2, 1)).reshape(-1, encoded_x.shape[1])
    residual = x_in
    quantized_out = jnp.zeros_like(x_in)
    all_indices = []
    all_losses = []
    for q in range(codebooks.shape[0]):
        quant, idx, loss = _quantize_one(residual, codebooks[q])
        residual = residual - jax.lax.stop_gradient(quant)
        quantized_out = quantized_out + quant
        all_indices.append(idx)
        all_losses.append(loss)
    indices = jnp.stack(all_indices, axis=-1)  # [N, n_codebooks]
    losses = jnp.stack(all_losses)             # [n_codebooks]
    return quantized_out, indices, losses

if __name__ == "__main__":
    import jax
    _d = setup_inputs()
    print(jax.jit(kernel)(*tuple(_d.values())))

</pallas_src>

<mosaic_0001>
#map = affine_map<(d0, d1) -> (0, 0)>
#map1 = affine_map<(d0, d1) -> (0)>
module attributes {stable_mosaic.version = 14 : i64} {
  func.func @k(%arg0: i32, %arg1: i32, %arg2: memref<8192x128xf32, #tpu.memory_space<hbm>>, %arg3: memref<8192xi32, #tpu.memory_space<hbm>>, %arg4: memref<8192x64xf32, #tpu.memory_space<hbm>>, %arg5: memref<8192x128xf32, #tpu.memory_space<hbm>>, %arg6: memref<8192x64xf32, #tpu.memory_space<hbm>>, %arg7: memref<256xi32, #tpu.memory_space<vmem>>, %arg8: memref<256x128xf32, #tpu.memory_space<vmem>>, %arg9: memref<256x64xf32, #tpu.memory_space<vmem>>, %arg10: memref<!tpu.dma_semaphore, #tpu.memory_space<semaphore_mem>>) attributes {dimension_semantics = [#tpu.dimension_semantics<core_parallel>, #tpu.dimension_semantics<subcore_parallel>], iteration_bounds = array<i64: 2, 16>, scalar_prefetch = 0 : i64, scratch_operands = 4 : i64, tpu.core_type = #tpu.core_type<sc_vector_subcore>, window_params = [{transform_indices = #map}, {transform_indices = #map1}, {transform_indices = #map}, {transform_indices = #map}, {transform_indices = #map}]} {
    %mul3A = arith.constant 2 : i32
    %mul3A_0 = arith.muli %arg1, %mul3A : i32
    %add3A = arith.addi %mul3A_0, %arg0 : i32
    %mul3A_1 = arith.constant 256 : i32
    %mul3A_2 = arith.muli %add3A, %mul3A_1 : i32
    "tpu.region"() ({
      %run_scoped3A = tpu.sem_alloc : memref<!tpu.dma_semaphore, #tpu.memory_space<semaphore_mem>>
      %dma_start3A_12 = tpu.memref_slice %arg3[%mul3A_2] : memref<8192xi32, #tpu.memory_space<hbm>> -> memref<256xi32, #tpu.memory_space<hbm>>
      %dma_start3A_13 = tpu.memref_slice %arg3[%mul3A_2] : memref<8192xi32, #tpu.memory_space<hbm>> -> memref<256xi32, #tpu.memory_space<hbm>>
      tpu.enqueue_dma source(%dma_start3A_13 : memref<256xi32, #tpu.memory_space<hbm>>) target(%arg7 : memref<256xi32, #tpu.memory_space<vmem>>) target_semaphore(%run_scoped3A : memref<!tpu.dma_semaphore, #tpu.memory_space<semaphore_mem>>)
      %dma_wait3A_14 = tpu.memref_slice %arg3[%mul3A_2] : memref<8192xi32, #tpu.memory_space<hbm>> -> memref<256xi32, #tpu.memory_space<hbm>>
      %dma_wait3A_15 = tpu.memref_slice %arg3[%mul3A_2] : memref<8192xi32, #tpu.memory_space<hbm>> -> memref<256xi32, #tpu.memory_space<hbm>>
      tpu.wait_dma2 semaphore(%run_scoped3A : memref<!tpu.dma_semaphore, #tpu.memory_space<semaphore_mem>>) src(%dma_wait3A_15 : memref<256xi32, #tpu.memory_space<hbm>>) dst(%arg7 : memref<256xi32, #tpu.memory_space<vmem>>)
      tpu.yield
    }) : () -> ()
    "tpu.region"() ({
      %run_scoped3A = tpu.sem_alloc : memref<!tpu.dma_semaphore, #tpu.memory_space<semaphore_mem>>
      %dma_start3A_12 = arith.constant 0 : i32
      %dma_start3A_13 = tpu.memref_slice %arg4[%mul3A_2, %dma_start3A_12] : memref<8192x64xf32, #tpu.memory_space<hbm>> -> memref<256x64xf32, #tpu.memory_space<hbm>>
      %dma_start3A_14 = arith.constant 0 : i32
      %dma_start3A_15 = tpu.memref_slice %arg4[%mul3A_2, %dma_start3A_14] : memref<8192x64xf32, #tpu.memory_space<hbm>> -> memref<256x64xf32, #tpu.memory_space<hbm>>
      tpu.enqueue_dma source(%dma_start3A_15 : memref<256x64xf32, #tpu.memory_space<hbm>>) target(%arg9 : memref<256x64xf32, #tpu.memory_space<vmem>>) target_semaphore(%run_scoped3A : memref<!tpu.dma_semaphore, #tpu.memory_space<semaphore_mem>>)
      %dma_wait3A_16 = arith.constant 0 : i32
      %dma_wait3A_17 = tpu.memref_slice %arg4[%mul3A_2, %dma_wait3A_16] : memref<8192x64xf32, #tpu.memory_space<hbm>> -> memref<256x64xf32, #tpu.memory_space<hbm>>
      %dma_wait3A_18 = arith.constant 0 : i32
      %dma_wait3A_19 = tpu.memref_slice %arg4[%mul3A_2, %dma_wait3A_18] : memref<8192x64xf32, #tpu.memory_space<hbm>> -> memref<256x64xf32, #tpu.memory_space<hbm>>
      tpu.wait_dma2 semaphore(%run_scoped3A : memref<!tpu.dma_semaphore, #tpu.memory_space<semaphore_mem>>) src(%dma_wait3A_19 : memref<256x64xf32, #tpu.memory_space<hbm>>) dst(%arg9 : memref<256x64xf32, #tpu.memory_space<vmem>>)
      tpu.yield
    }) : () -> ()
    %dma_start3A = arith.constant 0 : i32
    %dma_start3A_3 = arith.constant 0 : i32
    %dma_start3A_4 = tpu.memref_slice %arg2[%dma_start3A, %dma_start3A_3] : memref<8192x128xf32, #tpu.memory_space<hbm>> -> memref<8192x128xf32, #tpu.memory_space<hbm>>
    tpu.enqueue_indirect_dma source(%dma_start3A_4 : memref<8192x128xf32, #tpu.memory_space<hbm>>) target(%arg8 : memref<256x128xf32, #tpu.memory_space<vmem>>) offsets(%arg7 : memref<256xi32, #tpu.memory_space<vmem>>) semaphore(%arg10 : memref<!tpu.dma_semaphore, #tpu.memory_space<semaphore_mem>>)
    %dma_wait3A = arith.constant 0 : i32
    %dma_wait3A_5 = arith.constant 0 : i32
    %dma_wait3A_6 = tpu.memref_slice %arg2[%dma_wait3A, %dma_wait3A_5] : memref<8192x128xf32, #tpu.memory_space<hbm>> -> memref<8192x128xf32, #tpu.memory_space<hbm>>
    tpu.wait_indirect_dma semaphore(%arg10 : memref<!tpu.dma_semaphore, #tpu.memory_space<semaphore_mem>>) src(%dma_wait3A_6 : memref<8192x128xf32, #tpu.memory_space<hbm>>) dst(%arg8 : memref<256x128xf32, #tpu.memory_space<vmem>>)
    "tpu.region"() ({
      %run_scoped3A = tpu.sem_alloc : memref<!tpu.dma_semaphore, #tpu.memory_space<semaphore_mem>>
      %dma_start3A_12 = arith.constant 0 : i32
      %dma_start3A_13 = tpu.memref_slice %arg5[%mul3A_2, %dma_start3A_12] : memref<8192x128xf32, #tpu.memory_space<hbm>> -> memref<256x128xf32, #tpu.memory_space<hbm>>
      %dma_start3A_14 = arith.constant 0 : i32
      %dma_start3A_15 = tpu.memref_slice %arg5[%mul3A_2, %dma_start3A_14] : memref<8192x128xf32, #tpu.memory_space<hbm>> -> memref<256x128xf32, #tpu.memory_space<hbm>>
      tpu.enqueue_dma source(%arg8 : memref<256x128xf32, #tpu.memory_space<vmem>>) target(%dma_start3A_15 : memref<256x128xf32, #tpu.memory_space<hbm>>) target_semaphore(%run_scoped3A : memref<!tpu.dma_semaphore, #tpu.memory_space<semaphore_mem>>)
      %dma_wait3A_16 = arith.constant 0 : i32
      %dma_wait3A_17 = tpu.memref_slice %arg5[%mul3A_2, %dma_wait3A_16] : memref<8192x128xf32, #tpu.memory_space<hbm>> -> memref<256x128xf32, #tpu.memory_space<hbm>>
      %dma_wait3A_18 = arith.constant 0 : i32
      %dma_wait3A_19 = tpu.memref_slice %arg5[%mul3A_2, %dma_wait3A_18] : memref<8192x128xf32, #tpu.memory_space<hbm>> -> memref<256x128xf32, #tpu.memory_space<hbm>>
      tpu.wait_dma2 semaphore(%run_scoped3A : memref<!tpu.dma_semaphore, #tpu.memory_space<semaphore_mem>>) src(%arg8 : memref<256x128xf32, #tpu.memory_space<vmem>>) dst(%dma_wait3A_19 : memref<256x128xf32, #tpu.memory_space<hbm>>)
      tpu.yield
    }) : () -> ()
    %scan3A = arith.constant 0 : i32
    %scan3A_7 = arith.constant 0 : i32
    %scan3A_8 = arith.constant 256 : i32
    %scan3A_9 = arith.addi %scan3A_7, %scan3A_8 : i32
    %scan3A_10 = arith.constant 1 : i32
    scf.for %scan3A_12 = %scan3A_7 to %scan3A_9 step %scan3A_10  : i32 {
      %get3A = arith.index_cast %scan3A_12 : i32 to index
      %get3A_13 = arith.constant 0 : index
      %get3A_14 = tpu.vector_load %arg8[%get3A, %get3A_13] {strides = array<i32>} : memref<256x128xf32, #tpu.memory_space<vmem>>, vector<1x16xf32>,
      %get3A_15 = vector.shape_cast %get3A_14 : vector<1x16xf32> to vector<16xf32>
      %get3A_16 = arith.index_cast %scan3A_12 : i32 to index
      %get3A_17 = arith.constant 0 : index
      %get3A_18 = tpu.vector_load %arg9[%get3A_16, %get3A_17] {strides = array<i32>} : memref<256x64xf32, #tpu.memory_space<vmem>>, vector<1x16xf32>,
      %get3A_19 = vector.shape_cast %get3A_18 : vector<1x16xf32> to vector<16xf32>
      %sub3A = arith.subf %get3A_15, %get3A_19 : vector<16xf32>
      %add3A_20 = arith.addf %get3A_19, %sub3A : vector<16xf32>
      %sub3A_21 = arith.subf %get3A_19, %add3A_20 : vector<16xf32>
      %swap3A = arith.index_cast %scan3A_12 : i32 to index
      %swap3A_22 = arith.constant 0 : index
      %swap3A_23 = tpu.vector_load %arg9[%swap3A, %swap3A_22] {strides = array<i32>} : memref<256x64xf32, #tpu.memory_space<vmem>>, vector<1x16xf32>,
      %swap3A_24 = vector.shape_cast %swap3A_23 : vector<1x16xf32> to vector<16xf32>
      %swap3A_25 = vector.shape_cast %sub3A_21 : vector<16xf32> to vector<1x16xf32>
      tpu.vector_store %arg9[%swap3A, %swap3A_22], %swap3A_25 {strides = array<i32>} : memref<256x64xf32, #tpu.memory_space<vmem>>, vector<1x16xf32>,
      %get3A_26 = arith.index_cast %scan3A_12 : i32 to index
      %get3A_27 = arith.constant 16 : index
      %get3A_28 = tpu.vector_load %arg8[%get3A_26, %get3A_27] {strides = array<i32>} : memref<256x128xf32, #tpu.memory_space<vmem>>, vector<1x16xf32>,
      %get3A_29 = vector.shape_cast %get3A_28 : vector<1x16xf32> to vector<16xf32>
      %get3A_30 = arith.index_cast %scan3A_12 : i32 to index
      %get3A_31 = arith.constant 16 : index
      %get3A_32 = tpu.vector_load %arg9[%get3A_30, %get3A_31] {strides = array<i32>} : memref<256x64xf32, #tpu.memory_space<vmem>>, vector<1x16xf32>,
      %get3A_33 = vector.shape_cast %get3A_32 : vector<1x16xf32> to vector<16xf32>
      %sub3A_34 = arith.subf %get3A_29, %get3A_33 : vector<16xf32>
      %add3A_35 = arith.addf %get3A_33, %sub3A_34 : vector<16xf32>
      %sub3A_36 = arith.subf %get3A_33, %add3A_35 : vector<16xf32>
      %swap3A_37 = arith.index_cast %scan3A_12 : i32 to index
      %swap3A_38 = arith.constant 16 : index
      %swap3A_39 = tpu.vector_load %arg9[%swap3A_37, %swap3A_38] {strides = array<i32>} : memref<256x64xf32, #tpu.memory_space<vmem>>, vector<1x16xf32>,
      %swap3A_40 = vector.shape_cast %swap3A_39 : vector<1x16xf32> to vector<16xf32>
      %swap3A_41 = vector.shape_cast %sub3A_36 : vector<16xf32> to vector<1x16xf32>
      tpu.vector_store %arg9[%swap3A_37, %swap3A_38], %swap3A_41 {strides = array<i32>} : memref<256x64xf32, #tpu.memory_space<vmem>>, vector<1x16xf32>,
      %get3A_42 = arith.index_cast %scan3A_12 : i32 to index
      %get3A_43 = arith.constant 32 : index
      %get3A_44 = tpu.vector_load %arg8[%get3A_42, %get3A_43] {strides = array<i32>} : memref<256x128xf32, #tpu.memory_space<vmem>>, vector<1x16xf32>,
      %get3A_45 = vector.shape_cast %get3A_44 : vector<1x16xf32> to vector<16xf32>
      %get3A_46 = arith.index_cast %scan3A_12 : i32 to index
      %get3A_47 = arith.constant 32 : index
      %get3A_48 = tpu.vector_load %arg9[%get3A_46, %get3A_47] {strides = array<i32>} : memref<256x64xf32, #tpu.memory_space<vmem>>, vector<1x16xf32>,
      %get3A_49 = vector.shape_cast %get3A_48 : vector<1x16xf32> to vector<16xf32>
      %sub3A_50 = arith.subf %get3A_45, %get3A_49 : vector<16xf32>
      %add3A_51 = arith.addf %get3A_49, %sub3A_50 : vector<16xf32>
      %sub3A_52 = arith.subf %get3A_49, %add3A_51 : vector<16xf32>
      %swap3A_53 = arith.index_cast %scan3A_12 : i32 to index
      %swap3A_54 = arith.constant 32 : index
      %swap3A_55 = tpu.vector_load %arg9[%swap3A_53, %swap3A_54] {strides = array<i32>} : memref<256x64xf32, #tpu.memory_space<vmem>>, vector<1x16xf32>,
      %swap3A_56 = vector.shape_cast %swap3A_55 : vector<1x16xf32> to vector<16xf32>
      %swap3A_57 = vector.shape_cast %sub3A_52 : vector<16xf32> to vector<1x16xf32>
      tpu.vector_store %arg9[%swap3A_53, %swap3A_54], %swap3A_57 {strides = array<i32>} : memref<256x64xf32, #tpu.memory_space<vmem>>, vector<1x16xf32>,
      %get3A_58 = arith.index_cast %scan3A_12 : i32 to index
      %get3A_59 = arith.constant 48 : index
      %get3A_60 = tpu.vector_load %arg8[%get3A_58, %get3A_59] {strides = array<i32>} : memref<256x128xf32, #tpu.memory_space<vmem>>, vector<1x16xf32>,
      %get3A_61 = vector.shape_cast %get3A_60 : vector<1x16xf32> to vector<16xf32>
      %get3A_62 = arith.index_cast %scan3A_12 : i32 to index
      %get3A_63 = arith.constant 48 : index
      %get3A_64 = tpu.vector_load %arg9[%get3A_62, %get3A_63] {strides = array<i32>} : memref<256x64xf32, #tpu.memory_space<vmem>>, vector<1x16xf32>,
      %get3A_65 = vector.shape_cast %get3A_64 : vector<1x16xf32> to vector<16xf32>
      %sub3A_66 = arith.subf %get3A_61, %get3A_65 : vector<16xf32>
      %add3A_67 = arith.addf %get3A_65, %sub3A_66 : vector<16xf32>
      %sub3A_68 = arith.subf %get3A_65, %add3A_67 : vector<16xf32>
      %swap3A_69 = arith.index_cast %scan3A_12 : i32 to index
      %swap3A_70 = arith.constant 48 : index
      %swap3A_71 = tpu.vector_load %arg9[%swap3A_69, %swap3A_70] {strides = array<i32>} : memref<256x64xf32, #tpu.memory_space<vmem>>, vector<1x16xf32>,
      %swap3A_72 = vector.shape_cast %swap3A_71 : vector<1x16xf32> to vector<16xf32>
      %swap3A_73 = vector.shape_cast %sub3A_68 : vector<16xf32> to vector<1x16xf32>
      tpu.vector_store %arg9[%swap3A_69, %swap3A_70], %swap3A_73 {strides = array<i32>} : memref<256x64xf32, #tpu.memory_space<vmem>>, vector<1x16xf32>,
    }
    %scan3A_11 = arith.constant 256 : i32
    "tpu.region"() ({
      %run_scoped3A = tpu.sem_alloc : memref<!tpu.dma_semaphore, #tpu.memory_space<semaphore_mem>>
      %dma_start3A_12 = arith.constant 0 : i32
      %dma_start3A_13 = tpu.memref_slice %arg6[%mul3A_2, %dma_start3A_12] : memref<8192x64xf32, #tpu.memory_space<hbm>> -> memref<256x64xf32, #tpu.memory_space<hbm>>
      %dma_start3A_14 = arith.constant 0 : i32
      %dma_start3A_15 = tpu.memref_slice %arg6[%mul3A_2, %dma_start3A_14] : memref<8192x64xf32, #tpu.memory_space<hbm>> -> memref<256x64xf32, #tpu.memory_space<hbm>>
      tpu.enqueue_dma source(%arg9 : memref<256x64xf32, #tpu.memory_space<vmem>>) target(%dma_start3A_15 : memref<256x64xf32, #tpu.memory_space<hbm>>) target_semaphore(%run_scoped3A : memref<!tpu.dma_semaphore, #tpu.memory_space<semaphore_mem>>)
      %dma_wait3A_16 = arith.constant 0 : i32
      %dma_wait3A_17 = tpu.memref_slice %arg6[%mul3A_2, %dma_wait3A_16] : memref<8192x64xf32, #tpu.memory_space<hbm>> -> memref<256x64xf32, #tpu.memory_space<hbm>>
      %dma_wait3A_18 = arith.constant 0 : i32
      %dma_wait3A_19 = tpu.memref_slice %arg6[%mul3A_2, %dma_wait3A_18] : memref<8192x64xf32, #tpu.memory_space<hbm>> -> memref<256x64xf32, #tpu.memory_space<hbm>>
      tpu.wait_dma2 semaphore(%run_scoped3A : memref<!tpu.dma_semaphore, #tpu.memory_space<semaphore_mem>>) src(%arg9 : memref<256x64xf32, #tpu.memory_space<vmem>>) dst(%dma_wait3A_19 : memref<256x64xf32, #tpu.memory_space<hbm>>)
      tpu.yield
    }) : () -> ()
    return
  }
}

#map = affine_map<(d0, d1) -> (0, 0)>
#map1 = affine_map<(d0, d1) -> (0)>
module attributes {stable_mosaic.version = 14 : i64} {
  func.func @k(%arg0: i32, %arg1: i32, %arg2: memref<8192x128xf32, #tpu.memory_space<hbm>>, %arg3: memref<8192xi32, #tpu.memory_space<hbm>>, %arg4: memref<8192x64xf32, #tpu.memory_space<hbm>>, %arg5: memref<8192x128xf32, #tpu.memory_space<hbm>>, %arg6: memref<8192x64xf32, #tpu.memory_space<hbm>>, %arg7: memref<256xi32, #tpu.memory_space<vmem>>, %arg8: memref<256x128xf32, #tpu.memory_space<vmem>>, %arg9: memref<256x64xf32, #tpu.memory_space<vmem>>, %arg10: memref<!tpu.dma_semaphore, #tpu.memory_space<semaphore_mem>>) attributes {dimension_semantics = [#tpu.dimension_semantics<core_parallel>, #tpu.dimension_semantics<subcore_parallel>], iteration_bounds = array<i64: 2, 16>, scalar_prefetch = 0 : i64, scratch_operands = 4 : i64, tpu.core_type = #tpu.core_type<sc_vector_subcore>, window_params = [{transform_indices = #map}, {transform_indices = #map1}, {transform_indices = #map}, {transform_indices = #map}, {transform_indices = #map}]} {
    %mul3A = arith.constant 2 : i32
    %mul3A_0 = arith.muli %arg1, %mul3A : i32
    %add3A = arith.addi %mul3A_0, %arg0 : i32
    %mul3A_1 = arith.constant 256 : i32
    %mul3A_2 = arith.muli %add3A, %mul3A_1 : i32
    "tpu.region"() ({
      %run_scoped3A = tpu.sem_alloc : memref<!tpu.dma_semaphore, #tpu.memory_space<semaphore_mem>>
      %dma_start3A_12 = tpu.memref_slice %arg3[%mul3A_2] : memref<8192xi32, #tpu.memory_space<hbm>> -> memref<256xi32, #tpu.memory_space<hbm>>
      %dma_start3A_13 = tpu.memref_slice %arg3[%mul3A_2] : memref<8192xi32, #tpu.memory_space<hbm>> -> memref<256xi32, #tpu.memory_space<hbm>>
      tpu.enqueue_dma source(%dma_start3A_13 : memref<256xi32, #tpu.memory_space<hbm>>) target(%arg7 : memref<256xi32, #tpu.memory_space<vmem>>) target_semaphore(%run_scoped3A : memref<!tpu.dma_semaphore, #tpu.memory_space<semaphore_mem>>)
      %dma_wait3A_14 = tpu.memref_slice %arg3[%mul3A_2] : memref<8192xi32, #tpu.memory_space<hbm>> -> memref<256xi32, #tpu.memory_space<hbm>>
      %dma_wait3A_15 = tpu.memref_slice %arg3[%mul3A_2] : memref<8192xi32, #tpu.memory_space<hbm>> -> memref<256xi32, #tpu.memory_space<hbm>>
      tpu.wait_dma2 semaphore(%run_scoped3A : memref<!tpu.dma_semaphore, #tpu.memory_space<semaphore_mem>>) src(%dma_wait3A_15 : memref<256xi32, #tpu.memory_space<hbm>>) dst(%arg7 : memref<256xi32, #tpu.memory_space<vmem>>)
      tpu.yield
    }) : () -> ()
    "tpu.region"() ({
      %run_scoped3A = tpu.sem_alloc : memref<!tpu.dma_semaphore, #tpu.memory_space<semaphore_mem>>
      %dma_start3A_12 = arith.constant 0 : i32
      %dma_start3A_13 = tpu.memref_slice %arg4[%mul3A_2, %dma_start3A_12] : memref<8192x64xf32, #tpu.memory_space<hbm>> -> memref<256x64xf32, #tpu.memory_space<hbm>>
      %dma_start3A_14 = arith.constant 0 : i32
      %dma_start3A_15 = tpu.memref_slice %arg4[%mul3A_2, %dma_start3A_14] : memref<8192x64xf32, #tpu.memory_space<hbm>> -> memref<256x64xf32, #tpu.memory_space<hbm>>
      tpu.enqueue_dma source(%dma_start3A_15 : memref<256x64xf32, #tpu.memory_space<hbm>>) target(%arg9 : memref<256x64xf32, #tpu.memory_space<vmem>>) target_semaphore(%run_scoped3A : memref<!tpu.dma_semaphore, #tpu.memory_space<semaphore_mem>>)
      %dma_wait3A_16 = arith.constant 0 : i32
      %dma_wait3A_17 = tpu.memref_slice %arg4[%mul3A_2, %dma_wait3A_16] : memref<8192x64xf32, #tpu.memory_space<hbm>> -> memref<256x64xf32, #tpu.memory_space<hbm>>
      %dma_wait3A_18 = arith.constant 0 : i32
      %dma_wait3A_19 = tpu.memref_slice %arg4[%mul3A_2, %dma_wait3A_18] : memref<8192x64xf32, #tpu.memory_space<hbm>> -> memref<256x64xf32, #tpu.memory_space<hbm>>
      tpu.wait_dma2 semaphore(%run_scoped3A : memref<!tpu.dma_semaphore, #tpu.memory_space<semaphore_mem>>) src(%dma_wait3A_19 : memref<256x64xf32, #tpu.memory_space<hbm>>) dst(%arg9 : memref<256x64xf32, #tpu.memory_space<vmem>>)
      tpu.yield
    }) : () -> ()
    %dma_start3A = arith.constant 0 : i32
    %dma_start3A_3 = arith.constant 0 : i32
    %dma_start3A_4 = tpu.memref_slice %arg2[%dma_start3A, %dma_start3A_3] : memref<8192x128xf32, #tpu.memory_space<hbm>> -> memref<8192x128xf32, #tpu.memory_space<hbm>>
    tpu.enqueue_indirect_dma source(%dma_start3A_4 : memref<8192x128xf32, #tpu.memory_space<hbm>>) target(%arg8 : memref<256x128xf32, #tpu.memory_space<vmem>>) offsets(%arg7 : memref<256xi32, #tpu.memory_space<vmem>>) semaphore(%arg10 : memref<!tpu.dma_semaphore, #tpu.memory_space<semaphore_mem>>)
    %dma_wait3A = arith.constant 0 : i32
    %dma_wait3A_5 = arith.constant 0 : i32
    %dma_wait3A_6 = tpu.memref_slice %arg2[%dma_wait3A, %dma_wait3A_5] : memref<8192x128xf32, #tpu.memory_space<hbm>> -> memref<8192x128xf32, #tpu.memory_space<hbm>>
    tpu.wait_indirect_dma semaphore(%arg10 : memref<!tpu.dma_semaphore, #tpu.memory_space<semaphore_mem>>) src(%dma_wait3A_6 : memref<8192x128xf32, #tpu.memory_space<hbm>>) dst(%arg8 : memref<256x128xf32, #tpu.memory_space<vmem>>)
    "tpu.region"() ({
      %run_scoped3A = tpu.sem_alloc : memref<!tpu.dma_semaphore, #tpu.memory_space<semaphore_mem>>
      %dma_start3A_12 = arith.constant 0 : i32
      %dma_start3A_13 = tpu.memref_slice %arg5[%mul3A_2, %dma_start3A_12] : memref<8192x128xf32, #tpu.memory_space<hbm>> -> memref<256x128xf32, #tpu.memory_space<hbm>>
      %dma_start3A_14 = arith.constant 0 : i32
      %dma_start3A_15 = tpu.memref_slice %arg5[%mul3A_2, %dma_start3A_14] : memref<8192x128xf32, #tpu.memory_space<hbm>> -> memref<256x128xf32, #tpu.memory_space<hbm>>
      tpu.enqueue_dma source(%arg8 : memref<256x128xf32, #tpu.memory_space<vmem>>) target(%dma_start3A_15 : memref<256x128xf32, #tpu.memory_space<hbm>>) target_semaphore(%run_scoped3A : memref<!tpu.dma_semaphore, #tpu.memory_space<semaphore_mem>>)
      %dma_wait3A_16 = arith.constant 0 : i32
      %dma_wait3A_17 = tpu.memref_slice %arg5[%mul3A_2, %dma_wait3A_16] : memref<8192x128xf32, #tpu.memory_space<hbm>> -> memref<256x128xf32, #tpu.memory_space<hbm>>
      %dma_wait3A_18 = arith.constant 0 : i32
      %dma_wait3A_19 = tpu.memref_slice %arg5[%mul3A_2, %dma_wait3A_18] : memref<8192x128xf32, #tpu.memory_space<hbm>> -> memref<256x128xf32, #tpu.memory_space<hbm>>
      tpu.wait_dma2 semaphore(%run_scoped3A : memref<!tpu.dma_semaphore, #tpu.memory_space<semaphore_mem>>) src(%arg8 : memref<256x128xf32, #tpu.memory_space<vmem>>) dst(%dma_wait3A_19 : memref<256x128xf32, #tpu.memory_space<hbm>>)
      tpu.yield
    }) : () -> ()
    %scan3A = arith.constant 0 : i32
    %scan3A_7 = arith.constant 0 : i32
    %scan3A_8 = arith.constant 256 : i32
    %scan3A_9 = arith.addi %scan3A_7, %scan3A_8 : i32
    %scan3A_10 = arith.constant 1 : i32
    scf.for %scan3A_12 = %scan3A_7 to %scan3A_9 step %scan3A_10  : i32 {
      %get3A = arith.index_cast %scan3A_12 : i32 to index
      %get3A_13 = arith.constant 0 : index
      %get3A_14 = tpu.vector_load %arg8[%get3A, %get3A_13] {strides = array<i32>} : memref<256x128xf32, #tpu.memory_space<vmem>>, vector<1x16xf32>,
      %get3A_15 = vector.shape_cast %get3A_14 : vector<1x16xf32> to vector<16xf32>
      %get3A_16 = arith.index_cast %scan3A_12 : i32 to index
      %get3A_17 = arith.constant 0 : index
      %get3A_18 = tpu.vector_load %arg9[%get3A_16, %get3A_17] {strides = array<i32>} : memref<256x64xf32, #tpu.memory_space<vmem>>, vector<1x16xf32>,
      %get3A_19 = vector.shape_cast %get3A_18 : vector<1x16xf32> to vector<16xf32>
      %sub3A = arith.subf %get3A_15, %get3A_19 : vector<16xf32>
      %add3A_20 = arith.addf %get3A_19, %sub3A : vector<16xf32>
      %sub3A_21 = arith.subf %get3A_19, %add3A_20 : vector<16xf32>
      %swap3A = arith.index_cast %scan3A_12 : i32 to index
      %swap3A_22 = arith.constant 0 : index
      %swap3A_23 = tpu.vector_load %arg9[%swap3A, %swap3A_22] {strides = array<i32>} : memref<256x64xf32, #tpu.memory_space<vmem>>, vector<1x16xf32>,
      %swap3A_24 = vector.shape_cast %swap3A_23 : vector<1x16xf32> to vector<16xf32>
      %swap3A_25 = vector.shape_cast %sub3A_21 : vector<16xf32> to vector<1x16xf32>
      tpu.vector_store %arg9[%swap3A, %swap3A_22], %swap3A_25 {strides = array<i32>} : memref<256x64xf32, #tpu.memory_space<vmem>>, vector<1x16xf32>,
      %get3A_26 = arith.index_cast %scan3A_12 : i32 to index
      %get3A_27 = arith.constant 16 : index
      %get3A_28 = tpu.vector_load %arg8[%get3A_26, %get3A_27] {strides = array<i32>} : memref<256x128xf32, #tpu.memory_space<vmem>>, vector<1x16xf32>,
      %get3A_29 = vector.shape_cast %get3A_28 : vector<1x16xf32> to vector<16xf32>
      %get3A_30 = arith.index_cast %scan3A_12 : i32 to index
      %get3A_31 = arith.constant 16 : index
      %get3A_32 = tpu.vector_load %arg9[%get3A_30, %get3A_31] {strides = array<i32>} : memref<256x64xf32, #tpu.memory_space<vmem>>, vector<1x16xf32>,
      %get3A_33 = vector.shape_cast %get3A_32 : vector<1x16xf32> to vector<16xf32>
      %sub3A_34 = arith.subf %get3A_29, %get3A_33 : vector<16xf32>
      %add3A_35 = arith.addf %get3A_33, %sub3A_34 : vector<16xf32>
      %sub3A_36 = arith.subf %get3A_33, %add3A_35 : vector<16xf32>
      %swap3A_37 = arith.index_cast %scan3A_12 : i32 to index
      %swap3A_38 = arith.constant 16 : index
      %swap3A_39 = tpu.vector_load %arg9[%swap3A_37, %swap3A_38] {strides = array<i32>} : memref<256x64xf32, #tpu.memory_space<vmem>>, vector<1x16xf32>,
      %swap3A_40 = vector.shape_cast %swap3A_39 : vector<1x16xf32> to vector<16xf32>
      %swap3A_41 = vector.shape_cast %sub3A_36 : vector<16xf32> to vector<1x16xf32>
      tpu.vector_store %arg9[%swap3A_37, %swap3A_38], %swap3A_41 {strides = array<i32>} : memref<256x64xf32, #tpu.memory_space<vmem>>, vector<1x16xf32>,
      %get3A_42 = arith.index_cast %scan3A_12 : i32 to index
      %get3A_43 = arith.constant 32 : index
      %get3A_44 = tpu.vector_load %arg8[%get3A_42, %get3A_43] {strides = array<i32>} : memref<256x128xf32, #tpu.memory_space<vmem>>, vector<1x16xf32>,
      %get3A_45 = vector.shape_cast %get3A_44 : vector<1x16xf32> to vector<16xf32>
      %get3A_46 = arith.index_cast %scan3A_12 : i32 to index
      %get3A_47 = arith.constant 32 : index
      %get3A_48 = tpu.vector_load %arg9[%get3A_46, %get3A_47] {strides = array<i32>} : memref<256x64xf32, #tpu.memory_space<vmem>>, vector<1x16xf32>,
      %get3A_49 = vector.shape_cast %get3A_48 : vector<1x16xf32> to vector<16xf32>
      %sub3A_50 = arith.subf %get3A_45, %get3A_49 : vector<16xf32>
      %add3A_51 = arith.addf %get3A_49, %sub3A_50 : vector<16xf32>
      %sub3A_52 = arith.subf %get3A_49, %add3A_51 : vector<16xf32>
      %swap3A_53 = arith.index_cast %scan3A_12 : i32 to index
      %swap3A_54 = arith.constant 32 : index
      %swap3A_55 = tpu.vector_load %arg9[%swap3A_53, %swap3A_54] {strides = array<i32>} : memref<256x64xf32, #tpu.memory_space<vmem>>, vector<1x16xf32>,
      %swap3A_56 = vector.shape_cast %swap3A_55 : vector<1x16xf32> to vector<16xf32>
      %swap3A_57 = vector.shape_cast %sub3A_52 : vector<16xf32> to vector<1x16xf32>
      tpu.vector_store %arg9[%swap3A_53, %swap3A_54], %swap3A_57 {strides = array<i32>} : memref<256x64xf32, #tpu.memory_space<vmem>>, vector<1x16xf32>,
      %get3A_58 = arith.index_cast %scan3A_12 : i32 to index
      %get3A_59 = arith.constant 48 : index
      %get3A_60 = tpu.vector_load %arg8[%get3A_58, %get3A_59] {strides = array<i32>} : memref<256x128xf32, #tpu.memory_space<vmem>>, vector<1x16xf32>,
      %get3A_61 = vector.shape_cast %get3A_60 : vector<1x16xf32> to vector<16xf32>
      %get3A_62 = arith.index_cast %scan3A_12 : i32 to index
      %get3A_63 = arith.constant 48 : index
      %get3A_64 = tpu.vector_load %arg9[%get3A_62, %get3A_63] {strides = array<i32>} : memref<256x64xf32, #tpu.memory_space<vmem>>, vector<1x16xf32>,
      %get3A_65 = vector.shape_cast %get3A_64 : vector<1x16xf32> to vector<16xf32>
      %sub3A_66 = arith.subf %get3A_61, %get3A_65 : vector<16xf32>
      %add3A_67 = arith.addf %get3A_65, %sub3A_66 : vector<16xf32>
      %sub3A_68 = arith.subf %get3A_65, %add3A_67 : vector<16xf32>
      %swap3A_69 = arith.index_cast %scan3A_12 : i32 to index
      %swap3A_70 = arith.constant 48 : index
      %swap3A_71 = tpu.vector_load %arg9[%swap3A_69, %swap3A_70] {strides = array<i32>} : memref<256x64xf32, #tpu.memory_space<vmem>>, vector<1x16xf32>,
      %swap3A_72 = vector.shape_cast %swap3A_71 : vector<1x16xf32> to vector<16xf32>
      %swap3A_73 = vector.shape_cast %sub3A_68 : vector<16xf32> to vector<1x16xf32>
      tpu.vector_store %arg9[%swap3A_69, %swap3A_70], %swap3A_73 {strides = array<i32>} : memref<256x64xf32, #tpu.memory_space<vmem>>, vector<1x16xf32>,
    }
    %scan3A_11 = arith.constant 256 : i32
    "tpu.region"() ({
      %run_scoped3A = tpu.sem_alloc : memref<!tpu.dma_semaphore, #tpu.memory_space<semaphore_mem>>
      %dma_start3A_12 = arith.constant 0 : i32
      %dma_start3A_13 = tpu.memref_slice %arg6[%mul3A_2, %dma_start3A_12] : memref<8192x64xf32, #tpu.memory_space<hbm>> -> memref<256x64xf32, #tpu.memory_space<hbm>>
      %dma_start3A_14 = arith.constant 0 : i32
      %dma_start3A_15 = tpu.memref_slice %arg6[%mul3A_2, %dma_start3A_14] : memref<8192x64xf32, #tpu.memory_space<hbm>> -> memref<256x64xf32, #tpu.memory_space<hbm>>
      tpu.enqueue_dma source(%arg9 : memref<256x64xf32, #tpu.memory_space<vmem>>) target(%dma_start3A_15 : memref<256x64xf32, #tpu.memory_space<hbm>>) target_semaphore(%run_scoped3A : memref<!tpu.dma_semaphore, #tpu.memory_space<semaphore_mem>>)
      %dma_wait3A_16 = arith.constant 0 : i32
      %dma_wait3A_17 = tpu.memref_slice %arg6[%mul3A_2, %dma_wait3A_16] : memref<8192x64xf32, #tpu.memory_space<hbm>> -> memref<256x64xf32, #tpu.memory_space<hbm>>
      %dma_wait3A_18 = arith.constant 0 : i32
      %dma_wait3A_19 = tpu.memref_slice %arg6[%mul3A_2, %dma_wait3A_18] : memref<8192x64xf32, #tpu.memory_space<hbm>> -> memref<256x64xf32, #tpu.memory_space<hbm>>
      tpu.wait_dma2 semaphore(%run_scoped3A : memref<!tpu.dma_semaphore, #tpu.memory_space<semaphore_mem>>) src(%arg9 : memref<256x64xf32, #tpu.memory_space<vmem>>) dst(%dma_wait3A_19 : memref<256x64xf32, #tpu.memory_space<hbm>>)
      tpu.yield
    }) : () -> ()
    return
  }
}

#map = affine_map<(d0, d1) -> (0, 0)>
#map1 = affine_map<(d0, d1) -> (0)>
module attributes {stable_mosaic.version = 14 : i64} {
  func.func @k(%arg0: i32, %arg1: i32, %arg2: memref<8192x128xf32, #tpu.memory_space<hbm>>, %arg3: memref<8192xi32, #tpu.memory_space<hbm>>, %arg4: memref<8192x64xf32, #tpu.memory_space<hbm>>, %arg5: memref<8192x128xf32, #tpu.memory_space<hbm>>, %arg6: memref<8192x64xf32, #tpu.memory_space<hbm>>, %arg7: memref<256xi32, #tpu.memory_space<vmem>>, %arg8: memref<256x128xf32, #tpu.memory_space<vmem>>, %arg9: memref<256x64xf32, #tpu.memory_space<vmem>>, %arg10: memref<!tpu.dma_semaphore, #tpu.memory_space<semaphore_mem>>) attributes {dimension_semantics = [#tpu.dimension_semantics<core_parallel>, #tpu.dimension_semantics<subcore_parallel>], iteration_bounds = array<i64: 2, 16>, scalar_prefetch = 0 : i64, scratch_operands = 4 : i64, tpu.core_type = #tpu.core_type<sc_vector_subcore>, window_params = [{transform_indices = #map}, {transform_indices = #map1}, {transform_indices = #map}, {transform_indices = #map}, {transform_indices = #map}]} {
    %mul3A = arith.constant 2 : i32
    %mul3A_0 = arith.muli %arg1, %mul3A : i32
    %add3A = arith.addi %mul3A_0, %arg0 : i32
    %mul3A_1 = arith.constant 256 : i32
    %mul3A_2 = arith.muli %add3A, %mul3A_1 : i32
    "tpu.region"() ({
      %run_scoped3A = tpu.sem_alloc : memref<!tpu.dma_semaphore, #tpu.memory_space<semaphore_mem>>
      %dma_start3A_12 = tpu.memref_slice %arg3[%mul3A_2] : memref<8192xi32, #tpu.memory_space<hbm>> -> memref<256xi32, #tpu.memory_space<hbm>>
      %dma_start3A_13 = tpu.memref_slice %arg3[%mul3A_2] : memref<8192xi32, #tpu.memory_space<hbm>> -> memref<256xi32, #tpu.memory_space<hbm>>
      tpu.enqueue_dma source(%dma_start3A_13 : memref<256xi32, #tpu.memory_space<hbm>>) target(%arg7 : memref<256xi32, #tpu.memory_space<vmem>>) target_semaphore(%run_scoped3A : memref<!tpu.dma_semaphore, #tpu.memory_space<semaphore_mem>>)
      %dma_wait3A_14 = tpu.memref_slice %arg3[%mul3A_2] : memref<8192xi32, #tpu.memory_space<hbm>> -> memref<256xi32, #tpu.memory_space<hbm>>
      %dma_wait3A_15 = tpu.memref_slice %arg3[%mul3A_2] : memref<8192xi32, #tpu.memory_space<hbm>> -> memref<256xi32, #tpu.memory_space<hbm>>
      tpu.wait_dma2 semaphore(%run_scoped3A : memref<!tpu.dma_semaphore, #tpu.memory_space<semaphore_mem>>) src(%dma_wait3A_15 : memref<256xi32, #tpu.memory_space<hbm>>) dst(%arg7 : memref<256xi32, #tpu.memory_space<vmem>>)
      tpu.yield
    }) : () -> ()
    "tpu.region"() ({
      %run_scoped3A = tpu.sem_alloc : memref<!tpu.dma_semaphore, #tpu.memory_space<semaphore_mem>>
      %dma_start3A_12 = arith.constant 0 : i32
      %dma_start3A_13 = tpu.memref_slice %arg4[%mul3A_2, %dma_start3A_12] : memref<8192x64xf32, #tpu.memory_space<hbm>> -> memref<256x64xf32, #tpu.memory_space<hbm>>
      %dma_start3A_14 = arith.constant 0 : i32
      %dma_start3A_15 = tpu.memref_slice %arg4[%mul3A_2, %dma_start3A_14] : memref<8192x64xf32, #tpu.memory_space<hbm>> -> memref<256x64xf32, #tpu.memory_space<hbm>>
      tpu.enqueue_dma source(%dma_start3A_15 : memref<256x64xf32, #tpu.memory_space<hbm>>) target(%arg9 : memref<256x64xf32, #tpu.memory_space<vmem>>) target_semaphore(%run_scoped3A : memref<!tpu.dma_semaphore, #tpu.memory_space<semaphore_mem>>)
      %dma_wait3A_16 = arith.constant 0 : i32
      %dma_wait3A_17 = tpu.memref_slice %arg4[%mul3A_2, %dma_wait3A_16] : memref<8192x64xf32, #tpu.memory_space<hbm>> -> memref<256x64xf32, #tpu.memory_space<hbm>>
      %dma_wait3A_18 = arith.constant 0 : i32
      %dma_wait3A_19 = tpu.memref_slice %arg4[%mul3A_2, %dma_wait3A_18] : memref<8192x64xf32, #tpu.memory_space<hbm>> -> memref<256x64xf32, #tpu.memory_space<hbm>>
      tpu.wait_dma2 semaphore(%run_scoped3A : memref<!tpu.dma_semaphore, #tpu.memory_space<semaphore_mem>>) src(%dma_wait3A_19 : memref<256x64xf32, #tpu.memory_space<hbm>>) dst(%arg9 : memref<256x64xf32, #tpu.memory_space<vmem>>)
      tpu.yield
    }) : () -> ()
    %dma_start3A = arith.constant 0 : i32
    %dma_start3A_3 = arith.constant 0 : i32
    %dma_start3A_4 = tpu.memref_slice %arg2[%dma_start3A, %dma_start3A_3] : memref<8192x128xf32, #tpu.memory_space<hbm>> -> memref<8192x128xf32, #tpu.memory_space<hbm>>
    tpu.enqueue_indirect_dma source(%dma_start3A_4 : memref<8192x128xf32, #tpu.memory_space<hbm>>) target(%arg8 : memref<256x128xf32, #tpu.memory_space<vmem>>) offsets(%arg7 : memref<256xi32, #tpu.memory_space<vmem>>) semaphore(%arg10 : memref<!tpu.dma_semaphore, #tpu.memory_space<semaphore_mem>>)
    %dma_wait3A = arith.constant 0 : i32
    %dma_wait3A_5 = arith.constant 0 : i32
    %dma_wait3A_6 = tpu.memref_slice %arg2[%dma_wait3A, %dma_wait3A_5] : memref<8192x128xf32, #tpu.memory_space<hbm>> -> memref<8192x128xf32, #tpu.memory_space<hbm>>
    tpu.wait_indirect_dma semaphore(%arg10 : memref<!tpu.dma_semaphore, #tpu.memory_space<semaphore_mem>>) src(%dma_wait3A_6 : memref<8192x128xf32, #tpu.memory_space<hbm>>) dst(%arg8 : memref<256x128xf32, #tpu.memory_space<vmem>>)
    "tpu.region"() ({
      %run_scoped3A = tpu.sem_alloc : memref<!tpu.dma_semaphore, #tpu.memory_space<semaphore_mem>>
      %dma_start3A_12 = arith.constant 0 : i32
      %dma_start3A_13 = tpu.memref_slice %arg5[%mul3A_2, %dma_start3A_12] : memref<8192x128xf32, #tpu.memory_space<hbm>> -> memref<256x128xf32, #tpu.memory_space<hbm>>
      %dma_start3A_14 = arith.constant 0 : i32
      %dma_start3A_15 = tpu.memref_slice %arg5[%mul3A_2, %dma_start3A_14] : memref<8192x128xf32, #tpu.memory_space<hbm>> -> memref<256x128xf32, #tpu.memory_space<hbm>>
      tpu.enqueue_dma source(%arg8 : memref<256x128xf32, #tpu.memory_space<vmem>>) target(%dma_start3A_15 : memref<256x128xf32, #tpu.memory_space<hbm>>) target_semaphore(%run_scoped3A : memref<!tpu.dma_semaphore, #tpu.memory_space<semaphore_mem>>)
      %dma_wait3A_16 = arith.constant 0 : i32
      %dma_wait3A_17 = tpu.memref_slice %arg5[%mul3A_2, %dma_wait3A_16] : memref<8192x128xf32, #tpu.memory_space<hbm>> -> memref<256x128xf32, #tpu.memory_space<hbm>>
      %dma_wait3A_18 = arith.constant 0 : i32
      %dma_wait3A_19 = tpu.memref_slice %arg5[%mul3A_2, %dma_wait3A_18] : memref<8192x128xf32, #tpu.memory_space<hbm>> -> memref<256x128xf32, #tpu.memory_space<hbm>>
      tpu.wait_dma2 semaphore(%run_scoped3A : memref<!tpu.dma_semaphore, #tpu.memory_space<semaphore_mem>>) src(%arg8 : memref<256x128xf32, #tpu.memory_space<vmem>>) dst(%dma_wait3A_19 : memref<256x128xf32, #tpu.memory_space<hbm>>)
      tpu.yield
    }) : () -> ()
    %scan3A = arith.constant 0 : i32
    %scan3A_7 = arith.constant 0 : i32
    %scan3A_8 = arith.constant 256 : i32
    %scan3A_9 = arith.addi %scan3A_7, %scan3A_8 : i32
    %scan3A_10 = arith.constant 1 : i32
    scf.for %scan3A_12 = %scan3A_7 to %scan3A_9 step %scan3A_10  : i32 {
      %get3A = arith.index_cast %scan3A_12 : i32 to index
      %get3A_13 = arith.constant 0 : index
      %get3A_14 = tpu.vector_load %arg8[%get3A, %get3A_13] {strides = array<i32>} : memref<256x128xf32, #tpu.memory_space<vmem>>, vector<1x16xf32>,
      %get3A_15 = vector.shape_cast %get3A_14 : vector<1x16xf32> to vector<16xf32>
      %get3A_16 = arith.index_cast %scan3A_12 : i32 to index
      %get3A_17 = arith.constant 0 : index
      %get3A_18 = tpu.vector_load %arg9[%get3A_16, %get3A_17] {strides = array<i32>} : memref<256x64xf32, #tpu.memory_space<vmem>>, vector<1x16xf32>,
      %get3A_19 = vector.shape_cast %get3A_18 : vector<1x16xf32> to vector<16xf32>
      %sub3A = arith.subf %get3A_15, %get3A_19 : vector<16xf32>
      %add3A_20 = arith.addf %get3A_19, %sub3A : vector<16xf32>
      %sub3A_21 = arith.subf %get3A_19, %add3A_20 : vector<16xf32>
      %swap3A = arith.index_cast %scan3A_12 : i32 to index
      %swap3A_22 = arith.constant 0 : index
      %swap3A_23 = tpu.vector_load %arg9[%swap3A, %swap3A_22] {strides = array<i32>} : memref<256x64xf32, #tpu.memory_space<vmem>>, vector<1x16xf32>,
      %swap3A_24 = vector.shape_cast %swap3A_23 : vector<1x16xf32> to vector<16xf32>
      %swap3A_25 = vector.shape_cast %sub3A_21 : vector<16xf32> to vector<1x16xf32>
      tpu.vector_store %arg9[%swap3A, %swap3A_22], %swap3A_25 {strides = array<i32>} : memref<256x64xf32, #tpu.memory_space<vmem>>, vector<1x16xf32>,
      %get3A_26 = arith.index_cast %scan3A_12 : i32 to index
      %get3A_27 = arith.constant 16 : index
      %get3A_28 = tpu.vector_load %arg8[%get3A_26, %get3A_27] {strides = array<i32>} : memref<256x128xf32, #tpu.memory_space<vmem>>, vector<1x16xf32>,
      %get3A_29 = vector.shape_cast %get3A_28 : vector<1x16xf32> to vector<16xf32>
      %get3A_30 = arith.index_cast %scan3A_12 : i32 to index
      %get3A_31 = arith.constant 16 : index
      %get3A_32 = tpu.vector_load %arg9[%get3A_30, %get3A_31] {strides = array<i32>} : memref<256x64xf32, #tpu.memory_space<vmem>>, vector<1x16xf32>,
      %get3A_33 = vector.shape_cast %get3A_32 : vector<1x16xf32> to vector<16xf32>
      %sub3A_34 = arith.subf %get3A_29, %get3A_33 : vector<16xf32>
      %add3A_35 = arith.addf %get3A_33, %sub3A_34 : vector<16xf32>
      %sub3A_36 = arith.subf %get3A_33, %add3A_35 : vector<16xf32>
      %swap3A_37 = arith.index_cast %scan3A_12 : i32 to index
      %swap3A_38 = arith.constant 16 : index
      %swap3A_39 = tpu.vector_load %arg9[%swap3A_37, %swap3A_38] {strides = array<i32>} : memref<256x64xf32, #tpu.memory_space<vmem>>, vector<1x16xf32>,
      %swap3A_40 = vector.shape_cast %swap3A_39 : vector<1x16xf32> to vector<16xf32>
      %swap3A_41 = vector.shape_cast %sub3A_36 : vector<16xf32> to vector<1x16xf32>
      tpu.vector_store %arg9[%swap3A_37, %swap3A_38], %swap3A_41 {strides = array<i32>} : memref<256x64xf32, #tpu.memory_space<vmem>>, vector<1x16xf32>,
      %get3A_42 = arith.index_cast %scan3A_12 : i32 to index
      %get3A_43 = arith.constant 32 : index
      %get3A_44 = tpu.vector_load %arg8[%get3A_42, %get3A_43] {strides = array<i32>} : memref<256x128xf32, #tpu.memory_space<vmem>>, vector<1x16xf32>,
      %get3A_45 = vector.shape_cast %get3A_44 : vector<1x16xf32> to vector<16xf32>
      %get3A_46 = arith.index_cast %scan3A_12 : i32 to index
      %get3A_47 = arith.constant 32 : index
      %get3A_48 = tpu.vector_load %arg9[%get3A_46, %get3A_47] {strides = array<i32>} : memref<256x64xf32, #tpu.memory_space<vmem>>, vector<1x16xf32>,
      %get3A_49 = vector.shape_cast %get3A_48 : vector<1x16xf32> to vector<16xf32>
      %sub3A_50 = arith.subf %get3A_45, %get3A_49 : vector<16xf32>
      %add3A_51 = arith.addf %get3A_49, %sub3A_50 : vector<16xf32>
      %sub3A_52 = arith.subf %get3A_49, %add3A_51 : vector<16xf32>
      %swap3A_53 = arith.index_cast %scan3A_12 : i32 to index
      %swap3A_54 = arith.constant 32 : index
      %swap3A_55 = tpu.vector_load %arg9[%swap3A_53, %swap3A_54] {strides = array<i32>} : memref<256x64xf32, #tpu.memory_space<vmem>>, vector<1x16xf32>,
      %swap3A_56 = vector.shape_cast %swap3A_55 : vector<1x16xf32> to vector<16xf32>
      %swap3A_57 = vector.shape_cast %sub3A_52 : vector<16xf32> to vector<1x16xf32>
      tpu.vector_store %arg9[%swap3A_53, %swap3A_54], %swap3A_57 {strides = array<i32>} : memref<256x64xf32, #tpu.memory_space<vmem>>, vector<1x16xf32>,
      %get3A_58 = arith.index_cast %scan3A_12 : i32 to index
      %get3A_59 = arith.constant 48 : index
      %get3A_60 = tpu.vector_load %arg8[%get3A_58, %get3A_59] {strides = array<i32>} : memref<256x128xf32, #tpu.memory_space<vmem>>, vector<1x16xf32>,
      %get3A_61 = vector.shape_cast %get3A_60 : vector<1x16xf32> to vector<16xf32>
      %get3A_62 = arith.index_cast %scan3A_12 : i32 to index
      %get3A_63 = arith.constant 48 : index
      %get3A_64 = tpu.vector_load %arg9[%get3A_62, %get3A_63] {strides = array<i32>} : memref<256x64xf32, #tpu.memory_space<vmem>>, vector<1x16xf32>,
      %get3A_65 = vector.shape_cast %get3A_64 : vector<1x16xf32> to vector<16xf32>
      %sub3A_66 = arith.subf %get3A_61, %get3A_65 : vector<16xf32>
      %add3A_67 = arith.addf %get3A_65, %sub3A_66 : vector<16xf32>
      %sub3A_68 = arith.subf %get3A_65, %add3A_67 : vector<16xf32>
      %swap3A_69 = arith.index_cast %scan3A_12 : i32 to index
      %swap3A_70 = arith.constant 48 : index
      %swap3A_71 = tpu.vector_load %arg9[%swap3A_69, %swap3A_70] {strides = array<i32>} : memref<256x64xf32, #tpu.memory_space<vmem>>, vector<1x16xf32>,
      %swap3A_72 = vector.shape_cast %swap3A_71 : vector<1x16xf32> to vector<16xf32>
      %swap3A_73 = vector.shape_cast %sub3A_68 : vector<16xf32> to vector<1x16xf32>
      tpu.vector_store %arg9[%swap3A_69, %swap3A_70], %swap3A_73 {strides = array<i32>} : memref<256x64xf32, #tpu.memory_space<vmem>>, vector<1x16xf32>,
    }
    %scan3A_11 = arith.constant 256 : i32
    "tpu.region"() ({
      %run_scoped3A = tpu.sem_alloc : memref<!tpu.dma_semaphore, #tpu.memory_space<semaphore_mem>>
      %dma_start3A_12 = arith.constant 0 : i32
      %dma_start3A_13 = tpu.memref_slice %arg6[%mul3A_2, %dma_start3A_12] : memref<8192x64xf32, #tpu.memory_space<hbm>> -> memref<256x64xf32, #tpu.memory_space<hbm>>
      %dma_start3A_14 = arith.constant 0 : i32
      %dma_start3A_15 = tpu.memref_slice %arg6[%mul3A_2, %dma_start3A_14] : memref<8192x64xf32, #tpu.memory_space<hbm>> -> memref<256x64xf32, #tpu.memory_space<hbm>>
      tpu.enqueue_dma source(%arg9 : memref<256x64xf32, #tpu.memory_space<vmem>>) target(%dma_start3A_15 : memref<256x64xf32, #tpu.memory_space<hbm>>) target_semaphore(%run_scoped3A : memref<!tpu.dma_semaphore, #tpu.memory_space<semaphore_mem>>)
      %dma_wait3A_16 = arith.constant 0 : i32
      %dma_wait3A_17 = tpu.memref_slice %arg6[%mul3A_2, %dma_wait3A_16] : memref<8192x64xf32, #tpu.memory_space<hbm>> -> memref<256x64xf32, #tpu.memory_space<hbm>>
      %dma_wait3A_18 = arith.constant 0 : i32
      %dma_wait3A_19 = tpu.memref_slice %arg6[%mul3A_2, %dma_wait3A_18] : memref<8192x64xf32, #tpu.memory_space<hbm>> -> memref<256x64xf32, #tpu.memory_space<hbm>>
      tpu.wait_dma2 semaphore(%run_scoped3A : memref<!tpu.dma_semaphore, #tpu.memory_space<semaphore_mem>>) src(%arg9 : memref<256x64xf32, #tpu.memory_space<vmem>>) dst(%dma_wait3A_19 : memref<256x64xf32, #tpu.memory_space<hbm>>)
      tpu.yield
    }) : () -> ()
    return
  }
}

#map = affine_map<(d0, d1) -> (0, 0)>
#map1 = affine_map<(d0, d1) -> (0)>
module attributes {stable_mosaic.version = 14 : i64} {
  func.func @k(%arg0: i32, %arg1: i32, %arg2: memref<8192x128xf32, #tpu.memory_space<hbm>>, %arg3: memref<8192xi32, #tpu.memory_space<hbm>>, %arg4: memref<8192x64xf32, #tpu.memory_space<hbm>>, %arg5: memref<8192x128xf32, #tpu.memory_space<hbm>>, %arg6: memref<8192x64xf32, #tpu.memory_space<hbm>>, %arg7: memref<256xi32, #tpu.memory_space<vmem>>, %arg8: memref<256x128xf32, #tpu.memory_space<vmem>>, %arg9: memref<256x64xf32, #tpu.memory_space<vmem>>, %arg10: memref<!tpu.dma_semaphore, #tpu.memory_space<semaphore_mem>>) attributes {dimension_semantics = [#tpu.dimension_semantics<core_parallel>, #tpu.dimension_semantics<subcore_parallel>], iteration_bounds = array<i64: 2, 16>, scalar_prefetch = 0 : i64, scratch_operands = 4 : i64, tpu.core_type = #tpu.core_type<sc_vector_subcore>, window_params = [{transform_indices = #map}, {transform_indices = #map1}, {transform_indices = #map}, {transform_indices = #map}, {transform_indices = #map}]} {
    %mul3A = arith.constant 2 : i32
    %mul3A_0 = arith.muli %arg1, %mul3A : i32
    %add3A = arith.addi %mul3A_0, %arg0 : i32
    %mul3A_1 = arith.constant 256 : i32
    %mul3A_2 = arith.muli %add3A, %mul3A_1 : i32
    "tpu.region"() ({
      %run_scoped3A = tpu.sem_alloc : memref<!tpu.dma_semaphore, #tpu.memory_space<semaphore_mem>>
      %dma_start3A_12 = tpu.memref_slice %arg3[%mul3A_2] : memref<8192xi32, #tpu.memory_space<hbm>> -> memref<256xi32, #tpu.memory_space<hbm>>
      %dma_start3A_13 = tpu.memref_slice %arg3[%mul3A_2] : memref<8192xi32, #tpu.memory_space<hbm>> -> memref<256xi32, #tpu.memory_space<hbm>>
      tpu.enqueue_dma source(%dma_start3A_13 : memref<256xi32, #tpu.memory_space<hbm>>) target(%arg7 : memref<256xi32, #tpu.memory_space<vmem>>) target_semaphore(%run_scoped3A : memref<!tpu.dma_semaphore, #tpu.memory_space<semaphore_mem>>)
      %dma_wait3A_14 = tpu.memref_slice %arg3[%mul3A_2] : memref<8192xi32, #tpu.memory_space<hbm>> -> memref<256xi32, #tpu.memory_space<hbm>>
      %dma_wait3A_15 = tpu.memref_slice %arg3[%mul3A_2] : memref<8192xi32, #tpu.memory_space<hbm>> -> memref<256xi32, #tpu.memory_space<hbm>>
      tpu.wait_dma2 semaphore(%run_scoped3A : memref<!tpu.dma_semaphore, #tpu.memory_space<semaphore_mem>>) src(%dma_wait3A_15 : memref<256xi32, #tpu.memory_space<hbm>>) dst(%arg7 : memref<256xi32, #tpu.memory_space<vmem>>)
      tpu.yield
    }) : () -> ()
    "tpu.region"() ({
      %run_scoped3A = tpu.sem_alloc : memref<!tpu.dma_semaphore, #tpu.memory_space<semaphore_mem>>
      %dma_start3A_12 = arith.constant 0 : i32
      %dma_start3A_13 = tpu.memref_slice %arg4[%mul3A_2, %dma_start3A_12] : memref<8192x64xf32, #tpu.memory_space<hbm>> -> memref<256x64xf32, #tpu.memory_space<hbm>>
      %dma_start3A_14 = arith.constant 0 : i32
      %dma_start3A_15 = tpu.memref_slice %arg4[%mul3A_2, %dma_start3A_14] : memref<8192x64xf32, #tpu.memory_space<hbm>> -> memref<256x64xf32, #tpu.memory_space<hbm>>
      tpu.enqueue_dma source(%dma_start3A_15 : memref<256x64xf32, #tpu.memory_space<hbm>>) target(%arg9 : memref<256x64xf32, #tpu.memory_space<vmem>>) target_semaphore(%run_scoped3A : memref<!tpu.dma_semaphore, #tpu.memory_space<semaphore_mem>>)
      %dma_wait3A_16 = arith.constant 0 : i32
      %dma_wait3A_17 = tpu.memref_slice %arg4[%mul3A_2, %dma_wait3A_16] : memref<8192x64xf32, #tpu.memory_space<hbm>> -> memref<256x64xf32, #tpu.memory_space<hbm>>
      %dma_wait3A_18 = arith.constant 0 : i32
      %dma_wait3A_19 = tpu.memref_slice %arg4[%mul3A_2, %dma_wait3A_18] : memref<8192x64xf32, #tpu.memory_space<hbm>> -> memref<256x64xf32, #tpu.memory_space<hbm>>
      tpu.wait_dma2 semaphore(%run_scoped3A : memref<!tpu.dma_semaphore, #tpu.memory_space<semaphore_mem>>) src(%dma_wait3A_19 : memref<256x64xf32, #tpu.memory_space<hbm>>) dst(%arg9 : memref<256x64xf32, #tpu.memory_space<vmem>>)
      tpu.yield
    }) : () -> ()
    %dma_start3A = arith.constant 0 : i32
    %dma_start3A_3 = arith.constant 0 : i32
    %dma_start3A_4 = tpu.memref_slice %arg2[%dma_start3A, %dma_start3A_3] : memref<8192x128xf32, #tpu.memory_space<hbm>> -> memref<8192x128xf32, #tpu.memory_space<hbm>>
    tpu.enqueue_indirect_dma source(%dma_start3A_4 : memref<8192x128xf32, #tpu.memory_space<hbm>>) target(%arg8 : memref<256x128xf32, #tpu.memory_space<vmem>>) offsets(%arg7 : memref<256xi32, #tpu.memory_space<vmem>>) semaphore(%arg10 : memref<!tpu.dma_semaphore, #tpu.memory_space<semaphore_mem>>)
    %dma_wait3A = arith.constant 0 : i32
    %dma_wait3A_5 = arith.constant 0 : i32
    %dma_wait3A_6 = tpu.memref_slice %arg2[%dma_wait3A, %dma_wait3A_5] : memref<8192x128xf32, #tpu.memory_space<hbm>> -> memref<8192x128xf32, #tpu.memory_space<hbm>>
    tpu.wait_indirect_dma semaphore(%arg10 : memref<!tpu.dma_semaphore, #tpu.memory_space<semaphore_mem>>) src(%dma_wait3A_6 : memref<8192x128xf32, #tpu.memory_space<hbm>>) dst(%arg8 : memref<256x128xf32, #tpu.memory_space<vmem>>)
    "tpu.region"() ({
      %run_scoped3A = tpu.sem_alloc : memref<!tpu.dma_semaphore, #tpu.memory_space<semaphore_mem>>
      %dma_start3A_12 = arith.constant 0 : i32
      %dma_start3A_13 = tpu.memref_slice %arg5[%mul3A_2, %dma_start3A_12] : memref<8192x128xf32, #tpu.memory_space<hbm>> -> memref<256x128xf32, #tpu.memory_space<hbm>>
      %dma_start3A_14 = arith.constant 0 : i32
      %dma_start3A_15 = tpu.memref_slice %arg5[%mul3A_2, %dma_start3A_14] : memref<8192x128xf32, #tpu.memory_space<hbm>> -> memref<256x128xf32, #tpu.memory_space<hbm>>
      tpu.enqueue_dma source(%arg8 : memref<256x128xf32, #tpu.memory_space<vmem>>) target(%dma_start3A_15 : memref<256x128xf32, #tpu.memory_space<hbm>>) target_semaphore(%run_scoped3A : memref<!tpu.dma_semaphore, #tpu.memory_space<semaphore_mem>>)
      %dma_wait3A_16 = arith.constant 0 : i32
      %dma_wait3A_17 = tpu.memref_slice %arg5[%mul3A_2, %dma_wait3A_16] : memref<8192x128xf32, #tpu.memory_space<hbm>> -> memref<256x128xf32, #tpu.memory_space<hbm>>
      %dma_wait3A_18 = arith.constant 0 : i32
      %dma_wait3A_19 = tpu.memref_slice %arg5[%mul3A_2, %dma_wait3A_18] : memref<8192x128xf32, #tpu.memory_space<hbm>> -> memref<256x128xf32, #tpu.memory_space<hbm>>
      tpu.wait_dma2 semaphore(%run_scoped3A : memref<!tpu.dma_semaphore, #tpu.memory_space<semaphore_mem>>) src(%arg8 : memref<256x128xf32, #tpu.memory_space<vmem>>) dst(%dma_wait3A_19 : memref<256x128xf32, #tpu.memory_space<hbm>>)
      tpu.yield
    }) : () -> ()
    %scan3A = arith.constant 0 : i32
    %scan3A_7 = arith.constant 0 : i32
    %scan3A_8 = arith.constant 256 : i32
    %scan3A_9 = arith.addi %scan3A_7, %scan3A_8 : i32
    %scan3A_10 = arith.constant 1 : i32
    scf.for %scan3A_12 = %scan3A_7 to %scan3A_9 step %scan3A_10  : i32 {
      %get3A = arith.index_cast %scan3A_12 : i32 to index
      %get3A_13 = arith.constant 0 : index
      %get3A_14 = tpu.vector_load %arg8[%get3A, %get3A_13] {strides = array<i32>} : memref<256x128xf32, #tpu.memory_space<vmem>>, vector<1x16xf32>,
      %get3A_15 = vector.shape_cast %get3A_14 : vector<1x16xf32> to vector<16xf32>
      %get3A_16 = arith.index_cast %scan3A_12 : i32 to index
      %get3A_17 = arith.constant 0 : index
      %get3A_18 = tpu.vector_load %arg9[%get3A_16, %get3A_17] {strides = array<i32>} : memref<256x64xf32, #tpu.memory_space<vmem>>, vector<1x16xf32>,
      %get3A_19 = vector.shape_cast %get3A_18 : vector<1x16xf32> to vector<16xf32>
      %sub3A = arith.subf %get3A_15, %get3A_19 : vector<16xf32>
      %add3A_20 = arith.addf %get3A_19, %sub3A : vector<16xf32>
      %sub3A_21 = arith.subf %get3A_19, %add3A_20 : vector<16xf32>
      %swap3A = arith.index_cast %scan3A_12 : i32 to index
      %swap3A_22 = arith.constant 0 : index
      %swap3A_23 = tpu.vector_load %arg9[%swap3A, %swap3A_22] {strides = array<i32>} : memref<256x64xf32, #tpu.memory_space<vmem>>, vector<1x16xf32>,
      %swap3A_24 = vector.shape_cast %swap3A_23 : vector<1x16xf32> to vector<16xf32>
      %swap3A_25 = vector.shape_cast %sub3A_21 : vector<16xf32> to vector<1x16xf32>
      tpu.vector_store %arg9[%swap3A, %swap3A_22], %swap3A_25 {strides = array<i32>} : memref<256x64xf32, #tpu.memory_space<vmem>>, vector<1x16xf32>,
      %get3A_26 = arith.index_cast %scan3A_12 : i32 to index
      %get3A_27 = arith.constant 16 : index
      %get3A_28 = tpu.vector_load %arg8[%get3A_26, %get3A_27] {strides = array<i32>} : memref<256x128xf32, #tpu.memory_space<vmem>>, vector<1x16xf32>,
      %get3A_29 = vector.shape_cast %get3A_28 : vector<1x16xf32> to vector<16xf32>
      %get3A_30 = arith.index_cast %scan3A_12 : i32 to index
      %get3A_31 = arith.constant 16 : index
      %get3A_32 = tpu.vector_load %arg9[%get3A_30, %get3A_31] {strides = array<i32>} : memref<256x64xf32, #tpu.memory_space<vmem>>, vector<1x16xf32>,
      %get3A_33 = vector.shape_cast %get3A_32 : vector<1x16xf32> to vector<16xf32>
      %sub3A_34 = arith.subf %get3A_29, %get3A_33 : vector<16xf32>
      %add3A_35 = arith.addf %get3A_33, %sub3A_34 : vector<16xf32>
      %sub3A_36 = arith.subf %get3A_33, %add3A_35 : vector<16xf32>
      %swap3A_37 = arith.index_cast %scan3A_12 : i32 to index
      %swap3A_38 = arith.constant 16 : index
      %swap3A_39 = tpu.vector_load %arg9[%swap3A_37, %swap3A_38] {strides = array<i32>} : memref<256x64xf32, #tpu.memory_space<vmem>>, vector<1x16xf32>,
      %swap3A_40 = vector.shape_cast %swap3A_39 : vector<1x16xf32> to vector<16xf32>
      %swap3A_41 = vector.shape_cast %sub3A_36 : vector<16xf32> to vector<1x16xf32>
      tpu.vector_store %arg9[%swap3A_37, %swap3A_38], %swap3A_41 {strides = array<i32>} : memref<256x64xf32, #tpu.memory_space<vmem>>, vector<1x16xf32>,
      %get3A_42 = arith.index_cast %scan3A_12 : i32 to index
      %get3A_43 = arith.constant 32 : index
      %get3A_44 = tpu.vector_load %arg8[%get3A_42, %get3A_43] {strides = array<i32>} : memref<256x128xf32, #tpu.memory_space<vmem>>, vector<1x16xf32>,
      %get3A_45 = vector.shape_cast %get3A_44 : vector<1x16xf32> to vector<16xf32>
      %get3A_46 = arith.index_cast %scan3A_12 : i32 to index
      %get3A_47 = arith.constant 32 : index
      %get3A_48 = tpu.vector_load %arg9[%get3A_46, %get3A_47] {strides = array<i32>} : memref<256x64xf32, #tpu.memory_space<vmem>>, vector<1x16xf32>,
      %get3A_49 = vector.shape_cast %get3A_48 : vector<1x16xf32> to vector<16xf32>
      %sub3A_50 = arith.subf %get3A_45, %get3A_49 : vector<16xf32>
      %add3A_51 = arith.addf %get3A_49, %sub3A_50 : vector<16xf32>
      %sub3A_52 = arith.subf %get3A_49, %add3A_51 : vector<16xf32>
      %swap3A_53 = arith.index_cast %scan3A_12 : i32 to index
      %swap3A_54 = arith.constant 32 : index
      %swap3A_55 = tpu.vector_load %arg9[%swap3A_53, %swap3A_54] {strides = array<i32>} : memref<256x64xf32, #tpu.memory_space<vmem>>, vector<1x16xf32>,
      %swap3A_56 = vector.shape_cast %swap3A_55 : vector<1x16xf32> to vector<16xf32>
      %swap3A_57 = vector.shape_cast %sub3A_52 : vector<16xf32> to vector<1x16xf32>
      tpu.vector_store %arg9[%swap3A_53, %swap3A_54], %swap3A_57 {strides = array<i32>} : memref<256x64xf32, #tpu.memory_space<vmem>>, vector<1x16xf32>,
      %get3A_58 = arith.index_cast %scan3A_12 : i32 to index
      %get3A_59 = arith.constant 48 : index
      %get3A_60 = tpu.vector_load %arg8[%get3A_58, %get3A_59] {strides = array<i32>} : memref<256x128xf32, #tpu.memory_space<vmem>>, vector<1x16xf32>,
      %get3A_61 = vector.shape_cast %get3A_60 : vector<1x16xf32> to vector<16xf32>
      %get3A_62 = arith.index_cast %scan3A_12 : i32 to index
      %get3A_63 = arith.constant 48 : index
      %get3A_64 = tpu.vector_load %arg9[%get3A_62, %get3A_63] {strides = array<i32>} : memref<256x64xf32, #tpu.memory_space<vmem>>, vector<1x16xf32>,
      %get3A_65 = vector.shape_cast %get3A_64 : vector<1x16xf32> to vector<16xf32>
      %sub3A_66 = arith.subf %get3A_61, %get3A_65 : vector<16xf32>
      %add3A_67 = arith.addf %get3A_65, %sub3A_66 : vector<16xf32>
      %sub3A_68 = arith.subf %get3A_65, %add3A_67 : vector<16xf32>
      %swap3A_69 = arith.index_cast %scan3A_12 : i32 to index
      %swap3A_70 = arith.constant 48 : index
      %swap3A_71 = tpu.vector_load %arg9[%swap3A_69, %swap3A_70] {strides = array<i32>} : memref<256x64xf32, #tpu.memory_space<vmem>>, vector<1x16xf32>,
      %swap3A_72 = vector.shape_cast %swap3A_71 : vector<1x16xf32> to vector<16xf32>
      %swap3A_73 = vector.shape_cast %sub3A_68 : vector<16xf32> to vector<1x16xf32>
      tpu.vector_store %arg9[%swap3A_69, %swap3A_70], %swap3A_73 {strides = array<i32>} : memref<256x64xf32, #tpu.memory_space<vmem>>, vector<1x16xf32>,
    }
    %scan3A_11 = arith.constant 256 : i32
    "tpu.region"() ({
      %run_scoped3A = tpu.sem_alloc : memref<!tpu.dma_semaphore, #tpu.memory_space<semaphore_mem>>
      %dma_start3A_12 = arith.constant 0 : i32
      %dma_start3A_13 = tpu.memref_slice %arg6[%mul3A_2, %dma_start3A_12] : memref<8192x64xf32, #tpu.memory_space<hbm>> -> memref<256x64xf32, #tpu.memory_space<hbm>>
      %dma_start3A_14 = arith.constant 0 : i32
      %dma_start3A_15 = tpu.memref_slice %arg6[%mul3A_2, %dma_start3A_14] : memref<8192x64xf32, #tpu.memory_space<hbm>> -> memref<256x64xf32, #tpu.memory_space<hbm>>
      tpu.enqueue_dma source(%arg9 : memref<256x64xf32, #tpu.memory_space<vmem>>) target(%dma_start3A_15 : memref<256x64xf32, #tpu.memory_space<hbm>>) target_semaphore(%run_scoped3A : memref<!tpu.dma_semaphore, #tpu.memory_space<semaphore_mem>>)
      %dma_wait3A_16 = arith.constant 0 : i32
      %dma_wait3A_17 = tpu.memref_slice %arg6[%mul3A_2, %dma_wait3A_16] : memref<8192x64xf32, #tpu.memory_space<hbm>> -> memref<256x64xf32, #tpu.memory_space<hbm>>
      %dma_wait3A_18 = arith.constant 0 : i32
      %dma_wait3A_19 = tpu.memref_slice %arg6[%mul3A_2, %dma_wait3A_18] : memref<8192x64xf32, #tpu.memory_space<hbm>> -> memref<256x64xf32, #tpu.memory_space<hbm>>
      tpu.wait_dma2 semaphore(%run_scoped3A : memref<!tpu.dma_semaphore, #tpu.memory_space<semaphore_mem>>) src(%arg9 : memref<256x64xf32, #tpu.memory_space<vmem>>) dst(%dma_wait3A_19 : memref<256x64xf32, #tpu.memory_space<hbm>>)
      tpu.yield
    }) : () -> ()
    return
  }
}

module attributes {stable_mosaic.version = 14 : i64} {
  func.func @_stage_body(%arg0: i32, %arg1: memref<256x64xf32, #tpu.memory_space<vmem>>, %arg2: memref<256x1xf32, #tpu.memory_space<vmem>>, %arg3: memref<64x8192xf32, #tpu.memory_space<vmem>>, %arg4: memref<1x8192xf32, #tpu.memory_space<vmem>>, %arg5: memref<256x1xi32, #tpu.memory_space<vmem>>) attributes {dimension_semantics = [#tpu.dimension_semantics<arbitrary>], iteration_bounds = array<i64: 32>, scalar_prefetch = 0 : i64, scratch_operands = 0 : i64, tpu.core_type = #tpu.core_type<tc>, window_params = [{transform_indices = @transform_0, window_bounds = array<i64: 256, 64>}, {transform_indices = @transform_1, window_bounds = array<i64: 256, 1>}, {pipeline_mode = #tpu.pipeline_mode<synchronous>, transform_indices = @transform_2, window_bounds = array<i64: 64, 8192>}, {pipeline_mode = #tpu.pipeline_mode<synchronous>, transform_indices = @transform_3, window_bounds = array<i64: 1, 8192>}, {transform_indices = @transform_4, window_bounds = array<i64: 256, 1>}]} {
    %get3A = arith.constant 0 : index
    %get3A_0 = arith.constant 0 : index
    %get3A_1 = vector.load %arg1[%get3A, %get3A_0] : memref<256x64xf32, #tpu.memory_space<vmem>>, vector<256x64xf32>
    %get3A_2 = arith.constant 0 : index
    %get3A_3 = arith.constant 0 : index
    %get3A_4 = vector.load %arg3[%get3A_2, %get3A_3] : memref<64x8192xf32, #tpu.memory_space<vmem>>, vector<64x8192xf32>
    %dot_general3A = arith.constant dense<0.000000e+00> : vector<256x8192xf32>
    %dot_general3A_5 = tpu.matmul %get3A_1, %get3A_4, %dot_general3A {dimension_numbers = #tpu.dot_dimension_numbers<[1], [0], [0], [1], [0, 0, 1, 1], [], []>, transpose_lhs_hint = false} : vector<256x64xf32>, vector<64x8192xf32>, vector<256x8192xf32> -> vector<256x8192xf32>
    %get3A_6 = arith.constant 0 : index
    %get3A_7 = arith.constant 0 : index
    %get3A_8 = vector.load %arg2[%get3A_6, %get3A_7] : memref<256x1xf32, #tpu.memory_space<vmem>>, vector<256x1xf32>
    %sub3A = vector.broadcast %get3A_8 : vector<256x1xf32> to vector<256x8192xf32>
    %sub3A_9 = arith.subf %sub3A, %dot_general3A_5 : vector<256x8192xf32>
    %get3A_10 = arith.constant 0 : index
    %get3A_11 = arith.constant 0 : index
    %get3A_12 = vector.load %arg4[%get3A_10, %get3A_11] : memref<1x8192xf32, #tpu.memory_space<vmem>>, vector<1x8192xf32>
    %add3A = vector.broadcast %get3A_12 : vector<1x8192xf32> to vector<256x8192xf32>
    %add3A_13 = arith.addf %sub3A_9, %add3A : vector<256x8192xf32>
    %argmin3A = tpu.reduce_index %add3A_13 {axis = 1 : i32, kind = #tpu.reduction_kind<arg_min>} : vector<256x8192xf32> -> vector<256xi32>
    %broadcast_in_dim3A = vector.shape_cast %argmin3A : vector<256xi32> to vector<256x1xi32>
    %swap3A = arith.constant 0 : index
    %swap3A_14 = arith.constant 0 : index
    %swap3A_15 = vector.load %arg5[%swap3A, %swap3A_14] : memref<256x1xi32, #tpu.memory_space<vmem>>, vector<256x1xi32>
    tpu.vector_store %arg5[%swap3A, %swap3A_14], %broadcast_in_dim3A {strides = array<i32>} : memref<256x1xi32, #tpu.memory_space<vmem>>, vector<256x1xi32>,
    return
  }
  func.func @transform_0(%arg0: i32) -> (i32, i32) {
    %c0_i32 = arith.constant 0 : i32
    %c0_i32_0 = arith.constant 0 : i32
    return %arg0, %c0_i32 : i32, i32
  }
  func.func @transform_1(%arg0: i32) -> (i32, i32) {
    %c0_i32 = arith.constant 0 : i32
    %c0_i32_0 = arith.constant 0 : i32
    return %arg0, %c0_i32 : i32, i32
  }
  func.func @transform_2(%arg0: i32) -> (i32, i32) {
    %c0_i32 = arith.constant 0 : i32
    %c0_i32_0 = arith.constant 0 : i32
    %c0_i32_1 = arith.constant 0 : i32
    return %c0_i32, %c0_i32_0 : i32, i32
  }
  func.func @transform_3(%arg0: i32) -> (i32, i32) {
    %c0_i32 = arith.constant 0 : i32
    %c0_i32_0 = arith.constant 0 : i32
    %c0_i32_1 = arith.constant 0 : i32
    return %c0_i32, %c0_i32_0 : i32, i32
  }
  func.func @transform_4(%arg0: i32) -> (i32, i32) {
    %c0_i32 = arith.constant 0 : i32
    %c0_i32_0 = arith.constant 0 : i32
    return %arg0, %c0_i32 : i32, i32
  }
}

module attributes {stable_mosaic.version = 14 : i64} {
  func.func @_epilogue_body(%arg0: i32, %arg1: memref<256x64xf32, #tpu.memory_space<vmem>>, %arg2: memref<256x128xf32, #tpu.memory_space<vmem>>, %arg3: memref<256x128xf32, #tpu.memory_space<vmem>>, %arg4: memref<256x128xf32, #tpu.memory_space<vmem>>, %arg5: memref<256x128xf32, #tpu.memory_space<vmem>>, %arg6: memref<256x64xf32, #tpu.memory_space<vmem>>, %arg7: memref<8x128xf32, #tpu.memory_space<vmem>>) attributes {dimension_semantics = [#tpu.dimension_semantics<arbitrary>], iteration_bounds = array<i64: 32>, scalar_prefetch = 0 : i64, scratch_operands = 0 : i64, tpu.core_type = #tpu.core_type<tc>, window_params = [{transform_indices = @transform_0, window_bounds = array<i64: 256, 64>}, {transform_indices = @transform_1, window_bounds = array<i64: 256, 128>}, {transform_indices = @transform_2, window_bounds = array<i64: 256, 128>}, {transform_indices = @transform_3, window_bounds = array<i64: 256, 128>}, {transform_indices = @transform_4, window_bounds = array<i64: 256, 128>}, {transform_indices = @transform_5, window_bounds = array<i64: 256, 64>}, {pipeline_mode = #tpu.pipeline_mode<synchronous>, transform_indices = @transform_6, window_bounds = array<i64: 8, 128>}]} {
    %get3A = arith.constant 0 : index
    %get3A_0 = arith.constant 0 : index
    %get3A_1 = vector.load %arg1[%get3A, %get3A_0] : memref<256x64xf32, #tpu.memory_space<vmem>>, vector<256x64xf32>
    %broadcast_in_dim3A = arith.constant 0.000000e+00 : f32
    %broadcast_in_dim3A_2 = vector.broadcast %broadcast_in_dim3A : f32 to vector<256x64xf32>
    %get3A_3 = arith.constant 0 : index
    %get3A_4 = arith.constant 0 : index
    %get3A_5 = vector.load %arg2[%get3A_3, %get3A_4] : memref<256x128xf32, #tpu.memory_space<vmem>>, vector<256x64xf32>
    %sub3A = arith.subf %get3A_5, %get3A_1 : vector<256x64xf32>
    %add3A = arith.addf %get3A_1, %sub3A : vector<256x64xf32>
    %add3A_6 = arith.addf %broadcast_in_dim3A_2, %add3A : vector<256x64xf32>
    %sub3A_7 = arith.subf %get3A_1, %add3A : vector<256x64xf32>
    %mul3A = arith.mulf %sub3A, %sub3A : vector<256x64xf32>
    %reduce_sum3A = vector.shape_cast %mul3A : vector<256x64xf32> to vector<1x256x64xf32>
    %reduce_sum3A_8 = arith.constant dense<0.000000e+00> : vector<1xf32>
    %reduce_sum3A_9 = vector.multi_reduction <add>, %reduce_sum3A, %reduce_sum3A_8 [1, 2] : vector<1x256x64xf32> to vector<1xf32>
    %reduce_sum3A_10 = vector.shape_cast %reduce_sum3A_9 : vector<1xf32> to vector<1x1x1xf32>
    %reduce_sum3A_11 = vector.extract %reduce_sum3A_10[0, 0, 0] : f32 from vector<1x1x1xf32>
    %get3A_12 = arith.constant 0 : index
    %get3A_13 = arith.constant 0 : index
    %get3A_14 = vector.load %arg3[%get3A_12, %get3A_13] : memref<256x128xf32, #tpu.memory_space<vmem>>, vector<256x64xf32>
    %sub3A_15 = arith.subf %get3A_14, %sub3A_7 : vector<256x64xf32>
    %add3A_16 = arith.addf %sub3A_7, %sub3A_15 : vector<256x64xf32>
    %add3A_17 = arith.addf %add3A_6, %add3A_16 : vector<256x64xf32>
    %sub3A_18 = arith.subf %sub3A_7, %add3A_16 : vector<256x64xf32>
    %mul3A_19 = arith.mulf %sub3A_15, %sub3A_15 : vector<256x64xf32>
    %reduce_sum3A_20 = vector.shape_cast %mul3A_19 : vector<256x64xf32> to vector<1x256x64xf32>
    %reduce_sum3A_21 = arith.constant dense<0.000000e+00> : vector<1xf32>
    %reduce_sum3A_22 = vector.multi_reduction <add>, %reduce_sum3A_20, %reduce_sum3A_21 [1, 2] : vector<1x256x64xf32> to vector<1xf32>
    %reduce_sum3A_23 = vector.shape_cast %reduce_sum3A_22 : vector<1xf32> to vector<1x1x1xf32>
    %reduce_sum3A_24 = vector.extract %reduce_sum3A_23[0, 0, 0] : f32 from vector<1x1x1xf32>
    %get3A_25 = arith.constant 0 : index
    %get3A_26 = arith.constant 0 : index
    %get3A_27 = vector.load %arg4[%get3A_25, %get3A_26] : memref<256x128xf32, #tpu.memory_space<vmem>>, vector<256x64xf32>
    %sub3A_28 = arith.subf %get3A_27, %sub3A_18 : vector<256x64xf32>
    %add3A_29 = arith.addf %sub3A_18, %sub3A_28 : vector<256x64xf32>
    %add3A_30 = arith.addf %add3A_17, %add3A_29 : vector<256x64xf32>
    %sub3A_31 = arith.subf %sub3A_18, %add3A_29 : vector<256x64xf32>
    %mul3A_32 = arith.mulf %sub3A_28, %sub3A_28 : vector<256x64xf32>
    %reduce_sum3A_33 = vector.shape_cast %mul3A_32 : vector<256x64xf32> to vector<1x256x64xf32>
    %reduce_sum3A_34 = arith.constant dense<0.000000e+00> : vector<1xf32>
    %reduce_sum3A_35 = vector.multi_reduction <add>, %reduce_sum3A_33, %reduce_sum3A_34 [1, 2] : vector<1x256x64xf32> to vector<1xf32>
    %reduce_sum3A_36 = vector.shape_cast %reduce_sum3A_35 : vector<1xf32> to vector<1x1x1xf32>
    %reduce_sum3A_37 = vector.extract %reduce_sum3A_36[0, 0, 0] : f32 from vector<1x1x1xf32>
    %get3A_38 = arith.constant 0 : index
    %get3A_39 = arith.constant 0 : index
    %get3A_40 = vector.load %arg5[%get3A_38, %get3A_39] : memref<256x128xf32, #tpu.memory_space<vmem>>, vector<256x64xf32>
    %sub3A_41 = arith.subf %get3A_40, %sub3A_31 : vector<256x64xf32>
    %add3A_42 = arith.addf %sub3A_31, %sub3A_41 : vector<256x64xf32>
    %add3A_43 = arith.addf %add3A_30, %add3A_42 : vector<256x64xf32>
    %mul3A_44 = arith.mulf %sub3A_41, %sub3A_41 : vector<256x64xf32>
    %reduce_sum3A_45 = vector.shape_cast %mul3A_44 : vector<256x64xf32> to vector<1x256x64xf32>
    %reduce_sum3A_46 = arith.constant dense<0.000000e+00> : vector<1xf32>
    %reduce_sum3A_47 = vector.multi_reduction <add>, %reduce_sum3A_45, %reduce_sum3A_46 [1, 2] : vector<1x256x64xf32> to vector<1xf32>
    %reduce_sum3A_48 = vector.shape_cast %reduce_sum3A_47 : vector<1xf32> to vector<1x1x1xf32>
    %reduce_sum3A_49 = vector.extract %reduce_sum3A_48[0, 0, 0] : f32 from vector<1x1x1xf32>
    %swap3A = arith.constant 0 : index
    %swap3A_50 = arith.constant 0 : index
    %swap3A_51 = vector.load %arg6[%swap3A, %swap3A_50] : memref<256x64xf32, #tpu.memory_space<vmem>>, vector<256x64xf32>
    tpu.vector_store %arg6[%swap3A, %swap3A_50], %add3A_43 {strides = array<i32>} : memref<256x64xf32, #tpu.memory_space<vmem>>, vector<256x64xf32>,
    %iota3A = tpu.iota {dimensions = array<i32: 0>} : vector<8x128xi32>
    %eq3A = arith.constant 0 : i32
    %eq3A_52 = vector.broadcast %eq3A : i32 to vector<8x128xi32>
    %eq3A_53 = arith.cmpi eq, %iota3A, %eq3A_52 : vector<8x128xi32>
    %jit3A = arith.constant 0.000000e+00 : f32
    %broadcast_in_dim3A_54 = vector.broadcast %reduce_sum3A_11 : f32 to vector<8x128xf32>
    %broadcast_in_dim3A_55 = vector.broadcast %jit3A : f32 to vector<8x128xf32>
    %select_n3A = arith.select %eq3A_53, %broadcast_in_dim3A_54, %broadcast_in_dim3A_55 : vector<8x128xi1>, vector<8x128xf32>
    %eq3A_56 = arith.constant 1 : i32
    %eq3A_57 = vector.broadcast %eq3A_56 : i32 to vector<8x128xi32>
    %eq3A_58 = arith.cmpi eq, %iota3A, %eq3A_57 : vector<8x128xi32>
    %jit3A_59 = arith.constant 0.000000e+00 : f32
    %broadcast_in_dim3A_60 = vector.broadcast %reduce_sum3A_24 : f32 to vector<8x128xf32>
    %broadcast_in_dim3A_61 = vector.broadcast %jit3A_59 : f32 to vector<8x128xf32>
    %select_n3A_62 = arith.select %eq3A_58, %broadcast_in_dim3A_60, %broadcast_in_dim3A_61 : vector<8x128xi1>, vector<8x128xf32>
    %add3A_63 = arith.addf %select_n3A, %select_n3A_62 : vector<8x128xf32>
    %eq3A_64 = arith.constant 2 : i32
    %eq3A_65 = vector.broadcast %eq3A_64 : i32 to vector<8x128xi32>
    %eq3A_66 = arith.cmpi eq, %iota3A, %eq3A_65 : vector<8x128xi32>
    %jit3A_67 = arith.constant 0.000000e+00 : f32
    %broadcast_in_dim3A_68 = vector.broadcast %reduce_sum3A_37 : f32 to vector<8x128xf32>
    %broadcast_in_dim3A_69 = vector.broadcast %jit3A_67 : f32 to vector<8x128xf32>
    %select_n3A_70 = arith.select %eq3A_66, %broadcast_in_dim3A_68, %broadcast_in_dim3A_69 : vector<8x128xi1>, vector<8x128xf32>
    %add3A_71 = arith.addf %add3A_63, %select_n3A_70 : vector<8x128xf32>
    %eq3A_72 = arith.constant 3 : i32
    %eq3A_73 = vector.broadcast %eq3A_72 : i32 to vector<8x128xi32>
    %eq3A_74 = arith.cmpi eq, %iota3A, %eq3A_73 : vector<8x128xi32>
    %jit3A_75 = arith.constant 0.000000e+00 : f32
    %broadcast_in_dim3A_76 = vector.broadcast %reduce_sum3A_49 : f32 to vector<8x128xf32>
    %broadcast_in_dim3A_77 = vector.broadcast %jit3A_75 : f32 to vector<8x128xf32>
    %select_n3A_78 = arith.select %eq3A_74, %broadcast_in_dim3A_76, %broadcast_in_dim3A_77 : vector<8x128xi1>, vector<8x128xf32>
    %add3A_79 = arith.addf %add3A_71, %select_n3A_78 : vector<8x128xf32>
    %eq3A_80 = arith.constant 0 : i32
    %eq3A_81 = arith.cmpi eq, %arg0, %eq3A_80 : i32
    %convert_element_type3A = arith.extui %eq3A_81 : i1 to i32
    %cond3A = arith.constant 0 : i32
    %cond3A_82 = arith.cmpi ne, %convert_element_type3A, %cond3A : i32
    scf.if %cond3A_82 {
      %swap3A_87 = arith.constant 0 : index
      %swap3A_88 = arith.constant 0 : index
      %swap3A_89 = vector.load %arg7[%swap3A_87, %swap3A_88] : memref<8x128xf32, #tpu.memory_space<vmem>>, vector<8x128xf32>
      tpu.vector_store %arg7[%swap3A_87, %swap3A_88], %add3A_79 {strides = array<i32>} : memref<8x128xf32, #tpu.memory_space<vmem>>, vector<8x128xf32>,
    } else {
    }
    %ne3A = arith.constant 0 : i32
    %ne3A_83 = arith.cmpi ne, %arg0, %ne3A : i32
    %convert_element_type3A_84 = arith.extui %ne3A_83 : i1 to i32
    %cond3A_85 = arith.constant 0 : i32
    %cond3A_86 = arith.cmpi ne, %convert_element_type3A_84, %cond3A_85 : i32
    scf.if %cond3A_86 {
      %get3A_87 = arith.constant 0 : index
      %get3A_88 = arith.constant 0 : index
      %get3A_89 = vector.load %arg7[%get3A_87, %get3A_88] : memref<8x128xf32, #tpu.memory_space<vmem>>, vector<8x128xf32>
      %add3A_90 = arith.addf %get3A_89, %add3A_79 : vector<8x128xf32>
      %swap3A_91 = arith.constant 0 : index
      %swap3A_92 = arith.constant 0 : index
      %swap3A_93 = vector.load %arg7[%swap3A_91, %swap3A_92] : memref<8x128xf32, #tpu.memory_space<vmem>>, vector<8x128xf32>
      tpu.vector_store %arg7[%swap3A_91, %swap3A_92], %add3A_90 {strides = array<i32>} : memref<8x128xf32, #tpu.memory_space<vmem>>, vector<8x128xf32>,
    } else {
    }
    return
  }
  func.func @transform_0(%arg0: i32) -> (i32, i32) {
    %c0_i32 = arith.constant 0 : i32
    %c0_i32_0 = arith.constant 0 : i32
    return %arg0, %c0_i32 : i32, i32
  }
  func.func @transform_1(%arg0: i32) -> (i32, i32) {
    %c0_i32 = arith.constant 0 : i32
    %c0_i32_0 = arith.constant 0 : i32
    return %arg0, %c0_i32 : i32, i32
  }
  func.func @transform_2(%arg0: i32) -> (i32, i32) {
    %c0_i32 = arith.constant 0 : i32
    %c0_i32_0 = arith.constant 0 : i32
    return %arg0, %c0_i32 : i32, i32
  }
  func.func @transform_3(%arg0: i32) -> (i32, i32) {
    %c0_i32 = arith.constant 0 : i32
    %c0_i32_0 = arith.constant 0 : i32
    return %arg0, %c0_i32 : i32, i32
  }
  func.func @transform_4(%arg0: i32) -> (i32, i32) {
    %c0_i32 = arith.constant 0 : i32
    %c0_i32_0 = arith.constant 0 : i32
    return %arg0, %c0_i32 : i32, i32
  }
  func.func @transform_5(%arg0: i32) -> (i32, i32) {
    %c0_i32 = arith.constant 0 : i32
    %c0_i32_0 = arith.constant 0 : i32
    return %arg0, %c0_i32 : i32, i32
  }
  func.func @transform_6(%arg0: i32) -> (i32, i32) {
    %c0_i32 = arith.constant 0 : i32
    %c0_i32_0 = arith.constant 0 : i32
    %c0_i32_1 = arith.constant 0 : i32
    return %c0_i32, %c0_i32_0 : i32, i32
  }
}

</mosaic_0001>

<sc_bundles>
// kernel: kernel.11.cloned.1.call-start
scs
__scs_entry_jumppad:
0x0: {  	(pc) =	sbr.rel $0x88, $3  }
0x1: {  	(tag) =	ssettag $0x0;
	lr =	simm.s32 $0x1  }
0x2: {  	[smem:$0x3F9F] =	sst lr;
	_ =	strace $0xD0000000  }
0x3: {  	_ = 	snop  }
0x4: {  	_ = 	snop  }
0x5: {  	_ = 	snop  }
0x6: {  	_ = 	snop  }
0x7: {  	_ = 	snop  }
__scs_overlays_trampoline_lowered:
0x8: {  	[smem:$0x3FAE] =	sst s0  }
0x9: {  	[smem:$0x3FAF] =	sst s1  }
0xa: {  	[smem:$0x3FB0] =	sst s2  }
0xb: {  	[smem:$0x3FB1] =	sst s3  }
0xc: {  	[smem:$0x3FB2] =	sst s4  }
0xd: {  	[smem:$0x3FB3] =	sst s5  }
0xe: {  	[smem:$0x3FB4] =	sst s6  }
0xf: {  	[smem:$0x3FB5] =	sst s7  }
0x10: {  	[smem:$0x3FB6] =	sst s8  }
0x11: {  	[smem:$0x3FB7] =	sst s9;
	s0 =	simm.s32 @!p0 $0x0  }
0x12: {  	s1 =	sld [smem:$0x3F9D];
	s0 =	simm.s32 @p0 $0x1  }
0x13: {  	[smem:$0x3FB8] =	sst s0;
	s0 =	simm.s32 @!p1 $0x0  }
0x14: {  	s2 =	sld [smem:$0x3F9C];
	s0 =	simm.s32 @p1 $0x1  }
0x15: {  	[smem:$0x3FB9] =	sst s0;
	s0 =	simm.s32 @!p2 $0x0  }
0x16: {  	s3 =	sld [smem:$0x3FDB];
	s0 =	simm.s32 @p2 $0x1  }
0x17: {  	s4 =	simm.s32 $0x1BF5;
	[smem:$0x3FBB] =	sst s0  }
0x18: {  	s0 =	sld [smem:$0x3F9E];
	_ =	swait.ge [sflag:s4], $0x0  }
0x19: {  	s7 =	sld [smem:$0x3F9F]  }
0x1a: {  	s8 =	sadd.s32 $0xFFFFE003, lr  }
0x1b: {  	s9 =	sadd.s32 $0xFFFFFEF7, lr;
	s5 =	simm.s32 $0xFFFFFFFF;
	p2 =	slt.u32 s8, $0xFFFFF086  }
0x1c: {  	p1 =	slt.u32 s9, $0xF7A;
	s5 =	simm.s32 @!p2 $0x0  }
0x1d: {  	s5 =	simm.s32 @p1 $0x1;
	p0 =	seq.s32 s7, s2  }
0x1e: {  	s7 =	smul.u32 @!p0 $0xF7A, s2;
	p2 =	seq.s32 @!p0 s5, $0x0  }
0x1f: {  	s9 =	smul.u32 $0xF7A, s1;
	s8 =	simm.s32 @!p0 $0x1BF5;
	p2 =	por !p2, p0  }
0x20: {  	[sflag:s8] =	ssyncset.s32 @!p0 $0xFFFFF086;
	s6 =	sadd.s32 @!p0 s3, s7;
	s7 =	simm.s32 @!p0 $0x108  }
0x21: {  	s3 =	sadd.s32 s3, s9;
	s6 =	sadd.s32 @!p0 $0x88, s6;
	s7 =	simm.s32 @p2 $0x1082  }
0x22: {  	[simem:s7], [sflag:s8] =	dma.local @!p0 [hbm:s6], $0xF7A  }
0x23: {  	s9 =	sor.u32 $0xD0000000, s2;
	s6 =	simm.s32 $0x108;
	_ =	swait.ge @!p0 [sflag:s8], $0x0  }
0x24: {  	s3 =	sadd.s32 $0x88, s3;
	s6 =	simm.s32 @!p1 $0x1082;
	[sflag:s4] =	ssyncset.s32 $0xFFFFF086  }
0x25: {  	[simem:s6], [sflag:s4] =	dma.local [hbm:s3], $0xF7A  }
0x26: {  	[smem:$0x3F9F] =	sst s1;
	(tag) =	ssettag s2;
	_ =	strace s9  }
0x27: {  	s1 =	sld [smem:$0x3FAF]  }
0x28: {  	s2 =	sld [smem:$0x3FB0]  }
0x29: {  	s4 =	sld [smem:$0x3FB2]  }
0x2a: {  	p0 =	seq.s32 s5, $0x0;
	s5 =	sld [smem:$0x3FB3]  }
0x2b: {  	s6 =	sld [smem:$0x3FB4]  }
0x2c: {  	s7 =	sld [smem:$0x3FB5]  }
0x2d: {  	s3 =	simm.s32 $0x108;
	s8 =	sld [smem:$0x3FB6]  }
0x2e: {  	s3 =	simm.s32 @!p0 $0x1082;
	s9 =	sld [smem:$0x3FB7]  }
0x2f: {  	lr =	sadd.s32 s0, s3;
	s0 =	sld [smem:$0x3FAE]  }
0x30: {  	s3 =	sld [smem:$0x3FB1]  }
0x31: {  	[smem:$0x3FBA] =	sst s10  }
0x32: {  	s10 =	sld [smem:$0x3FB8];
	_ =	sdelay $0x3  }
0x33: {  	p0 =	seq.s32 s10, $0x1;
	s10 =	sld [smem:$0x3FBA];
	_ =	sdelay $0x3  }
0x34: {  	[smem:$0x3FBA] =	sst s10  }
0x35: {  	s10 =	sld [smem:$0x3FB9];
	_ =	sdelay $0x3  }
0x36: {  	p1 =	seq.s32 s10, $0x1;
	s10 =	sld [smem:$0x3FBA];
	_ =	sdelay $0x3  }
0x37: {  	[smem:$0x3FBA] =	sst s10  }
0x38: {  	s10 =	sld [smem:$0x3FBB]  }
0x39: {  	_ = 	snop;
	(pc) =	sbr.ind lr, $3  }
0x3a: {  	_ = 	snop  }
0x3b: {  	_ = 	snop  }
0x3c: {  	p2 =	seq.s32 s10, $0x1;
	s10 =	sld [smem:$0x3FBA]  }
0x3d: {  	_ =	shalt  }
0x3e: {  	_ =	shalt  }
0x3f: {  	_ =	shalt  }
0x40: {  	_ =	shalt  }
0x41: {  	_ =	shalt  }
0x42: {  	_ =	shalt  }
0x43: {  	_ =	shalt  }
0x44: {  	_ =	shalt  }
0x45: {  	_ =	shalt  }
0x46: {  	_ =	shalt  }
0x47: {  	_ =	shalt  }
0x48: {  	_ =	shalt  }
0x49: {  	_ =	shalt  }
0x4a: {  	_ =	shalt  }
0x4b: {  	_ =	shalt  }
0x4c: {  	_ =	shalt  }
0x4d: {  	_ =	shalt  }
0x4e: {  	_ =	shalt  }
0x4f: {  	_ =	shalt  }
0x50: {  	_ =	shalt  }
0x51: {  	_ =	shalt  }
0x52: {  	_ =	shalt  }
0x53: {  	_ =	shalt  }
0x54: {  	_ =	shalt  }
0x55: {  	_ =	shalt  }
0x56: {  	_ =	shalt  }
0x57: {  	_ =	shalt  }
0x58: {  	_ =	shalt  }
0x59: {  	_ =	shalt  }
0x5a: {  	_ =	shalt  }
0x5b: {  	_ =	shalt  }
0x5c: {  	_ =	shalt  }
0x5d: {  	_ =	shalt  }
0x5e: {  	_ =	shalt  }
0x5f: {  	_ =	shalt  }
0x60: {  	_ =	shalt  }
0x61: {  	_ =	shalt  }
0x62: {  	_ =	shalt  }
0x63: {  	_ =	shalt  }
0x64: {  	_ =	shalt  }
0x65: {  	_ =	shalt  }
0x66: {  	_ =	shalt  }
0x67: {  	_ =	shalt  }
0x68: {  	_ =	shalt  }
0x69: {  	_ =	shalt  }
0x6a: {  	_ =	shalt  }
0x6b: {  	_ =	shalt  }
0x6c: {  	_ =	shalt  }
0x6d: {  	_ =	shalt  }
0x6e: {  	_ =	shalt  }
0x6f: {  	_ =	shalt  }
0x70: {  	_ =	shalt  }
0x71: {  	_ =	shalt  }
0x72: {  	_ =	shalt  }
0x73: {  	_ =	shalt  }
0x74: {  	_ =	shalt  }
0x75: {  	_ =	shalt  }
0x76: {  	_ =	shalt  }
0x77: {  	_ =	shalt  }
0x78: {  	_ =	shalt  }
0x79: {  	_ =	shalt  }
0x7a: {  	_ =	shalt  }
0x7b: {  	_ =	shalt  }
0x7c: {  	_ =	shalt  }
0x7d: {  	_ =	shalt  }
0x7e: {  	_ =	shalt  }
0x7f: {  	_ =	shalt  }
0x80: {  	_ =	shalt  }
0x81: {  	_ =	shalt  }
0x82: {  	_ =	shalt  }
0x83: {  	_ =	shalt  }
0x84: {  	_ =	shalt  }
0x85: {  	_ =	shalt  }
0x86: {  	_ =	shalt  }
0x87: {  	_ =	shalt  }
.Lfunc_end0:
.L_simem_size_0:
called_computation_lowered:
.L_overlay_start_0:
0x88: {  	s2 =	sld [smem:$0x3FD9]  }
0x89: {  	s3 =	sld [smem:$0x3FFE];
	_ =	sdelay $0x1  }
0x8a: {  	s1 =	srdreg.scid  }
0x8b: {  	s0 =	sand.u32 $0x1, s1  }
0x8c: {  	s14 =	sshll.u32 s0, $0xA;
	s2 =	sadd.s32 s3, s2  }
0x8d: {  	s2 =	sadd.s32 s2, s14  }
0x8e: {  	[smem:$0x3FC6] =	sst s2  }
0x8f: {  	_ = 	snop  }
0x90: {  	s2 =	sld [smem:$0x3FD0];
	_ =	sdelay $0x2  }
0x91: {  	s15 =	simm.s32 $0xA;
	s4 =	simm.s32 $0x10  }
0x92: {  	[smem:s4], [sflag:s15] =	dma.local [hbm:s2], $0x1  }
0x93: {  	_ =	swait.eq [sflag:s15], $0x1  }
0x94: {  	[sflag:s15] =	ssyncset.done $0x0  }
0x95: {  	[sflag:s15] =	ssyncadd.s32 $0xFFFFFFFF  }
0x96: {  	s16 =	sld [smem:$0x11];
	(tm) =	ssettm $0x1  }
0x97: {  	s17 =	sld [smem:$0x3FFB];
	_ =	sdelay $0x3  }
0x98: {  	_ =	strace s17  }
0x99: {  	s3 =	sld [smem:$0x3FFC];
	_ =	sdelay $0x3  }
0x9a: {  	_ =	strace s3  }
0x9b: {  	s3 =	sld [smem:$0x3FFD];
	_ =	sdelay $0x3  }
0x9c: {  	_ =	strace s3  }
0x9d: {  	_ =	strace $0x8FFFFFFF  }
0x9e: {  	s18 =	sld [smem:$0x3FDB];
	_ =	sdelay $0x1  }
0x9f: {  	s19 =	simm.s32 $_scs_section_size  }
0xa0: {  	s5 =	simm.s32 $_size__tile_overlayer_lowered;
	s6 =	simm.s32 $_tile_overlayer_lowered  }
0xa1: {  	s22 =	simm.s32 $0x1BFF;
	s21 =	sshll.u32 s6, $0x1;
	s3 =	sadd.s32 s19, s18  }
0xa2: {  	s7 =	simm.s32 $0x0;
	s20 =	sshll.u32 s5, $0x1;
	s5 =	sadd.s32 s21, s3  }
0xa3: {  	[timem:s7], [sflag:s22] =	dma.local [hbm:s5], s20  }
0xa4: {  	_ =	swait.ge [sflag:s22], s20  }
0xa5: {  	s4 =	ssub.s32 $0x0, s20;
	[sflag:s22] =	ssyncset.done $0x0  }
0xa6: {  	[sflag:s22] =	ssyncadd.s32 s4;
	_ =	sdelay $0x1  }
0xa7: {  	s23 =	simm.s32 $0x1B8B  }
0xa8: {  	_ =	swait.ge [sflag:s23], $0x1  }
0xa9: {  	[sflag:s23] =	ssyncset.done $0x0  }
0xaa: {  	s25 =	simm.s32 $0x1B8E;
	s24 =	sld [smem:$0x3FFE];
	[sflag:s23] =	ssyncadd.s32 $0xFFFFFFFF  }
0xab: {  	s26 =	simm.s32 $execute0_lowered;
	[smem:$0x3FD2] =	sst s25  }
0xac: {  	s5 =	sshll.u32 s26, $0x1;
	_ =	strace $0x80000046;
	[dreg:$0x1] =	wrdreg $0xFFFFFFFF  }
0xad: {  	s28 =	simm.s32 $_size_execute0_lowered;
	s3 =	sadd.s32 s3, s5;
	[dreg:$0x0] =	wrdreg $0x0  }
0xae: {  	s5 =	sshll.u32 s28, $0x1;
	[dreg:$0x2] =	wrdreg s3  }
0xaf: {  	[dreg:$0x3] =	wrdreg s5  }
0xb0: {  	[dreg:$0x4] =	wrdreg $0xC0  }
0xb1: {  	_ =	task [dreg:s7], $0x5FFFF  }
0xb2: {  	[dreg:$0x1] =	wrdreg $0xFFFFFFFF  }
0xb3: {  	[dreg:$0x0] =	wrdreg $0x60  }
0xb4: {  	[dreg:$0x2] =	wrdreg s24  }
0xb5: {  	[dreg:$0x3] =	wrdreg s16  }
0xb6: {  	[dreg:$0x4] =	wrdreg $0x9  }
0xb7: {  	_ =	task.clear_ibuf [dreg:s7], $0x5FFFF;
	_ =	strace $0x90000046  }
0xb8: {  	s29 =	simm.s32 $0x9;
	_ =	strace $0x80000048  }
0xb9: {  	_ =	swait.ge [sflag:s29], $0x1  }
0xba: {  	[sflag:s29] =	ssyncadd.s32 $0xFFFFFFFF  }
0xbb: {  	_ =	strace $0x90000048  }
0xbc: {  	_ =	sfence  }
0xbd: {  	s30 =	sld [smem:$0x0];
	_ =	sdelay $0x2  }
0xbe: {  	s31 =	sshll.u32 s1, $0xD;
	s1 =	sshrl.u32 s1, $0x2  }
0xbf: {  	s3 =	sand.u32 $0x4000, s31;
	s1 =	sadd.s32 s1, s30  }
0xc0: {  	s0 =	sor.u32 s3, s0;
	s1 =	sshll.u32 s1, $0x11  }
0xc1: {  	s0 =	sor.u32 s1, s0  }
0xc2: {  	s0 =	sadd.s32 $0x8F2B, s0  }
0xc3: {  	[sflag:s0] =	ssyncadd.remote.s32 $0x1  }
0xc4: {  	_ =	sfence.sel $0xFFFF  }
0xc5: {  	[dreg:$0x0] =	wrdreg $0xFFFFFFFF;
	(pc) =	sbr.abs _section_cstart, $3  }
0xc6: {  	[dreg:$0x1] =	wrdreg $0xFFFFFFFF  }
0xc7: {  	_ =	task.clear_ibuf [dreg:s7], $0x2FFFF;
	_ =	strace $0x9FFFFFFF  }
0xc8: {  	(tm) =	ssettm $0x7FFFFFFF  }
0xc9: {  	_ =	shalt  }
tec
execute0_lowered:
.L_overlay_start_1:
0x0: {  	(tag) =	ssettag $0x1  }
0x1: {  	s4 =	rddreg [dreg:$0x0]  }
0x2: {  	s5 =	rddreg [dreg:$0x1]  }
0x3: {  	s0 =	rddreg [dreg:$0x2];
	s2 =	simm.s32 $0x0;
	s3 =	srdreg.scid  }
0x4: {  	s1 =	stileid.u32;
	s10 =	simm.s32 $0x8100;
	s11 =	simm.s32 $0x100  }
0x5: {  	s12 =	simm.s32 $0x1;
	s13 =	simm.s32 $0x0;
	s6 =	sand.u32 $0x1, s3  }
0x6: {  	[smem:$0x7FF] =	sst s2;
	s7 =	sshll.u32 s1, $0x9;
	s8 =	sshll.u32 s6, $0x8  }
0x7: {  	s3 =	sadd.s32 $0xA0600, s4;
	s6 =	ssub.s32 $0x2, s6;
	s7 =	sor.u32 s8, s7  }
0x8: {  	_ =	strace $0x80000047;
	s9 =	sshrl.u32 s6, $0x1;
	s8 =	sshll.u32 s7, $0x4  }
0x9: {  	s7 =	sshrl.u32 s7, $0x3;
	s9 =	ssub.s32 s6, s9;
	s8 =	sadd.s32 s8, s4  }
0xa: {  	s4 =	sadd.s32 s5, s7;
	s5 =	sadd.s32 $0x80600, s8;
	s6 =	sadd.s32 $0x20600, s8  }
0xb: {  	s7 =	sadd.s32 $0x600, s8;
	s8 =	smax.u32 s9, $0x1;
	s9 =	simm.s32 $0x2  }
.LBB2_1:
0xc: {  	[tilespmem:s2], [sflag:$0x2] =	stream.linear.gather [hbm4b:s4+s2], $0x100, $0x38;
	[tilespmem:$0x10100] =	vst v63  }
0xd: {  	_ =	swait.ge [sflag:s9], $0x100  }
0xe: {  	[sflag:s9] =	ssyncset.done $0x0  }
0xf: {  	[sflag:s9] =	ssyncadd.s32 $0xFFFFFF00  }
0x10: {  	[tilespmem:s10], [sflag:$0x2] =	stream.linear.gather [hbm4b:s5+s2], $0x8000, $0x38;
	[tilespmem:$0x10100] =	vst v63  }
0x11: {  	_ =	swait.ge [sflag:s9], $0x8000  }
0x12: {  	[sflag:s9] =	ssyncset.done $0x0  }
0x13: {  	[sflag:s9] =	ssyncadd.s32 $0xFFFF8000  }
0x14: {  	[tilespmem:s11], [sflag:$0x1] =	stream.indirect.gather [hbm4b:s3+s11], $0x80, s2, s11, $0xb8;
	[tilespmem:$0x10100] =	vst v63  }
0x15: {  	_ =	swait.ge [sflag:s12], $0x8000  }
0x16: {  	[sflag:s12] =	ssyncset.done $0x0  }
0x17: {  	[sflag:s12] =	ssyncadd.s32 $0xFFFF8000  }
0x18: {  	[hbm4b:s6+s2] =	stream.linear.scatter [tilespmem:s11], [sflag:$0x2], $0x8000, $0x38;
	[tilespmem:$0x10100] =	vst v63  }
0x19: {  	_ =	swait.ge [sflag:s9], $0x8000  }
0x1a: {  	[sflag:s9] =	ssyncset.done $0x0  }
0x1b: {  	s14 =	simm.s32 $0x0;
	[sflag:s9] =	ssyncadd.s32 $0xFFFF8000  }
0x1c: {  	v1 =	vld [tilespmem:s14+$0x100]  }
0x1d: {  	v6 =	vld [tilespmem:s14+$0x110]  }
0x1e: {  	v5 =	vld [tilespmem:s14+$0x120]  }
0x1f: {  	v3 =	vld [tilespmem:s14+$0x130]  }
0x20: {  	v4 =	vld [tilespmem:s14+$0x8100]  }
0x21: {  	v2 =	vld [tilespmem:s14+$0x8110]  }
0x22: {  	s15 =	simm.s32 $0x200;
	v0 =	vld [tilespmem:s14+$0x8120]  }
.LBB2_2:
0x23: {  	p0 =	sne.s32 s15, $0x1FE00;
	v7 =	vld [tilespmem:s14+$0x8130];
	_ =	sdelay $0x1  }
0x24: {  	v1 =	vsub.f32 v1, v4  }
0x25: {  	v6 =	vsub.f32 v6, v2  }
0x26: {  	s16 =	sshra.s32 s15, $0x2;
	v8 =	vadd.f32 v1, v4;
	v5 =	vsub.f32 v5, v0  }
0x27: {  	v1 =	vld [tilespmem:s16+$0x100];
	v9 =	vadd.f32 v6, v2;
	v3 =	vsub.f32 v3, v7  }
0x28: {  	v6 =	vld [tilespmem:s16+$0x110];
	v4 =	vsub.f32 v4, v8;
	v8 =	vadd.f32 v5, v0  }
.Ltmp0:
0x29: {  	v5 =	vld [tilespmem:s16+$0x120];
	v2 =	vsub.f32 v2, v9;
	v9 =	vadd.f32 v3, v7;
	(pc) =	sbr.rel @p0 .LBB2_2-.Ltmp0, $4  }
0x2a: {  	v3 =	vld [tilespmem:s16+$0x130];
	[tilespmem:s14+$0x8100] =	vst v4;
	v0 =	vsub.f32 v0, v8  }
0x2b: {  	v4 =	vld [tilespmem:s16+$0x8100];
	[tilespmem:s14+$0x8110] =	vst v2;
	v7 =	vsub.f32 v7, v9  }
0x2c: {  	v2 =	vld [tilespmem:s16+$0x8110];
	[tilespmem:s14+$0x8120] =	vst v0  }
0x2d: {  	s15 =	sadd.s32 $0x200, s15;
	v0 =	vld [tilespmem:s16+$0x8120];
	[tilespmem:s14+$0x8130] =	vst v7;
	s14 =	smov.u32 s16  }
0x2e: {  	v7 =	vld [tilespmem:s14+$0x8130];
	_ =	sdelay $0x1  }
0x2f: {  	v1 =	vsub.f32 v1, v4  }
0x30: {  	v6 =	vsub.f32 v6, v2  }
0x31: {  	v1 =	vadd.f32 v1, v4;
	v5 =	vsub.f32 v5, v0  }
0x32: {  	v6 =	vadd.f32 v6, v2;
	v3 =	vsub.f32 v3, v7  }
0x33: {  	v1 =	vsub.f32 v4, v1;
	v62 =	vadd.f32 v5, v0  }
0x34: {  	v2 =	vsub.f32 v2, v6;
	v3 =	vadd.f32 v3, v7  }
0x35: {  	[tilespmem:s14+$0x8100] =	vst v1;
	v0 =	vsub.f32 v0, v62  }
0x36: {  	s13 =	sadd.s32 $0x1, s13;
	[tilespmem:s14+$0x8110] =	vst v2;
	v63 =	vsub.f32 v7, v3  }
0x37: {  	p0 =	sne.s32 s13, s8;
	[tilespmem:s14+$0x8120] =	vst v0  }
.Ltmp1:
0x38: {  	[tilespmem:s14+$0x8130] =	vst v63;
	(pc) =	sbr.rel @p0 .LBB2_1-.Ltmp1, $4  }
0x39: {  	[hbm4b:s7+s2] =	stream.linear.scatter [tilespmem:s10], [sflag:$0x2], $0x8000, $0x38;
	[tilespmem:$0x10100] =	vst v63  }
0x3a: {  	_ =	swait.ge [sflag:s9], $0x8000  }
0x3b: {  	[sflag:s9] =	ssyncset.done $0x0  }
0x3c: {  	[sflag:s9] =	ssyncadd.s32 $0xFFFF8000  }
0x3d: {  	_ =	sfence.sel $0x180000  }
0x3e: {  	[bflag:$0x0] =	sbarrier.arrive $0xFFFF  }
0x3f: {  	p0 =	sne.s32 s1, $0x0;
	_ =	strace $0x90000047  }
0x40: {  	s0 =	sadd.s32 @!p0 $0x100000, s0;
	[bflag:$0x2] =	sbarrier.arrive $0xFFFF  }
0x41: {  	[sflag:s0] =	ssyncadd.tile.s32 @!p0 $0x1;
	_ =	shalt  }
.Lfunc_end2:
_tile_overlayer_lowered:
.L_overlay_start_2:
0x42: {  	(tag) =	ssettag $0x2  }
0x43: {  	s0 =	rddreg [dreg:$0x0];
	s2 =	stileid.u32  }
0x44: {  	s1 =	rddreg [dreg:$0x1];
	p0 =	sne.s32 s2, $0x0  }
0x45: {  	s3 =	rddreg [dreg:$0x2];
	[bflag:$0x3] =	sbarrier.arrive $0xFFFF;
	s2 =	simm.s32 @!p0 $0x1C02  }
0x46: {  	[timem:s3], [sflag:s2] =	dma.local @!p0 [hbm:s0], s1  }
0x47: {  	s0 =	simm.s32 @!p0 $0x2  }
0x48: {  	_ =	swait.ge @!p0 [sflag:s0], s1  }
0x49: {  	s1 =	ssub.s32 @!p0 $0x0, s1;
	[sflag:s0] =	ssyncset.done @!p0 $0x0  }
0x4a: {  	[sflag:s0] =	ssyncadd.s32 @!p0 s1  }
0x4b: {  	[bflag:$0x3] =	sbarrier.arrive $0xFFFF  }
0x4c: {  	_ =	shalt  }

// kernel: kernel.14.cloned.1.call-start
scs
__scs_entry_jumppad:
0x0: {  	(pc) =	sbr.rel $0x88, $3  }
0x1: {  	(tag) =	ssettag $0x0;
	lr =	simm.s32 $0x1  }
0x2: {  	[smem:$0x3F9F] =	sst lr;
	_ =	strace $0xD0000000  }
0x3: {  	_ = 	snop  }
0x4: {  	_ = 	snop  }
0x5: {  	_ = 	snop  }
0x6: {  	_ = 	snop  }
0x7: {  	_ = 	snop  }
__scs_overlays_trampoline_lowered:
0x8: {  	[smem:$0x3FAE] =	sst s0  }
0x9: {  	[smem:$0x3FAF] =	sst s1  }
0xa: {  	[smem:$0x3FB0] =	sst s2  }
0xb: {  	[smem:$0x3FB1] =	sst s3  }
0xc: {  	[smem:$0x3FB2] =	sst s4  }
0xd: {  	[smem:$0x3FB3] =	sst s5  }
0xe: {  	[smem:$0x3FB4] =	sst s6  }
0xf: {  	[smem:$0x3FB5] =	sst s7  }
0x10: {  	[smem:$0x3FB6] =	sst s8  }
0x11: {  	[smem:$0x3FB7] =	sst s9;
	s0 =	simm.s32 @!p0 $0x0  }
0x12: {  	s1 =	sld [smem:$0x3F9D];
	s0 =	simm.s32 @p0 $0x1  }
0x13: {  	[smem:$0x3FB8] =	sst s0;
	s0 =	simm.s32 @!p1 $0x0  }
0x14: {  	s2 =	sld [smem:$0x3F9C];
	s0 =	simm.s32 @p1 $0x1  }
0x15: {  	[smem:$0x3FB9] =	sst s0;
	s0 =	simm.s32 @!p2 $0x0  }
0x16: {  	s3 =	sld [smem:$0x3FDB];
	s0 =	simm.s32 @p2 $0x1  }
0x17: {  	s4 =	simm.s32 $0x1BF5;
	[smem:$0x3FBB] =	sst s0  }
0x18: {  	s0 =	sld [smem:$0x3F9E];
	_ =	swait.ge [sflag:s4], $0x0  }
0x19: {  	s7 =	sld [smem:$0x3F9F]  }
0x1a: {  	s8 =	sadd.s32 $0xFFFFE003, lr  }
0x1b: {  	s9 =	sadd.s32 $0xFFFFFEF7, lr;
	s5 =	simm.s32 $0xFFFFFFFF;
	p2 =	slt.u32 s8, $0xFFFFF086  }
0x1c: {  	p1 =	slt.u32 s9, $0xF7A;
	s5 =	simm.s32 @!p2 $0x0  }
0x1d: {  	s5 =	simm.s32 @p1 $0x1;
	p0 =	seq.s32 s7, s2  }
0x1e: {  	s7 =	smul.u32 @!p0 $0xF7A, s2;
	p2 =	seq.s32 @!p0 s5, $0x0  }
0x1f: {  	s9 =	smul.u32 $0xF7A, s1;
	s8 =	simm.s32 @!p0 $0x1BF5;
	p2 =	por !p2, p0  }
0x20: {  	[sflag:s8] =	ssyncset.s32 @!p0 $0xFFFFF086;
	s6 =	sadd.s32 @!p0 s3, s7;
	s7 =	simm.s32 @!p0 $0x108  }
0x21: {  	s3 =	sadd.s32 s3, s9;
	s6 =	sadd.s32 @!p0 $0x88, s6;
	s7 =	simm.s32 @p2 $0x1082  }
0x22: {  	[simem:s7], [sflag:s8] =	dma.local @!p0 [hbm:s6], $0xF7A  }
0x23: {  	s9 =	sor.u32 $0xD0000000, s2;
	s6 =	simm.s32 $0x108;
	_ =	swait.ge @!p0 [sflag:s8], $0x0  }
0x24: {  	s3 =	sadd.s32 $0x88, s3;
	s6 =	simm.s32 @!p1 $0x1082;
	[sflag:s4] =	ssyncset.s32 $0xFFFFF086  }
0x25: {  	[simem:s6], [sflag:s4] =	dma.local [hbm:s3], $0xF7A  }
0x26: {  	[smem:$0x3F9F] =	sst s1;
	(tag) =	ssettag s2;
	_ =	strace s9  }
0x27: {  	s1 =	sld [smem:$0x3FAF]  }
0x28: {  	s2 =	sld [smem:$0x3FB0]  }
0x29: {  	s4 =	sld [smem:$0x3FB2]  }
0x2a: {  	p0 =	seq.s32 s5, $0x0;
	s5 =	sld [smem:$0x3FB3]  }
0x2b: {  	s6 =	sld [smem:$0x3FB4]  }
0x2c: {  	s7 =	sld [smem:$0x3FB5]  }
0x2d: {  	s3 =	simm.s32 $0x108;
	s8 =	sld [smem:$0x3FB6]  }
0x2e: {  	s3 =	simm.s32 @!p0 $0x1082;
	s9 =	sld [smem:$0x3FB7]  }
0x2f: {  	lr =	sadd.s32 s0, s3;
	s0 =	sld [smem:$0x3FAE]  }
0x30: {  	s3 =	sld [smem:$0x3FB1]  }
0x31: {  	[smem:$0x3FBA] =	sst s10  }
0x32: {  	s10 =	sld [smem:$0x3FB8];
	_ =	sdelay $0x3  }
0x33: {  	p0 =	seq.s32 s10, $0x1;
	s10 =	sld [smem:$0x3FBA];
	_ =	sdelay $0x3  }
0x34: {  	[smem:$0x3FBA] =	sst s10  }
0x35: {  	s10 =	sld [smem:$0x3FB9];
	_ =	sdelay $0x3  }
0x36: {  	p1 =	seq.s32 s10, $0x1;
	s10 =	sld [smem:$0x3FBA];
	_ =	sdelay $0x3  }
0x37: {  	[smem:$0x3FBA] =	sst s10  }
0x38: {  	s10 =	sld [smem:$0x3FBB]  }
0x39: {  	_ = 	snop;
	(pc) =	sbr.ind lr, $3  }
0x3a: {  	_ = 	snop  }
0x3b: {  	_ = 	snop  }
0x3c: {  	p2 =	seq.s32 s10, $0x1;
	s10 =	sld [smem:$0x3FBA]  }
0x3d: {  	_ =	shalt  }
0x3e: {  	_ =	shalt  }
0x3f: {  	_ =	shalt  }
0x40: {  	_ =	shalt  }
0x41: {  	_ =	shalt  }
0x42: {  	_ =	shalt  }
0x43: {  	_ =	shalt  }
0x44: {  	_ =	shalt  }
0x45: {  	_ =	shalt  }
0x46: {  	_ =	shalt  }
0x47: {  	_ =	shalt  }
0x48: {  	_ =	shalt  }
0x49: {  	_ =	shalt  }
0x4a: {  	_ =	shalt  }
0x4b: {  	_ =	shalt  }
0x4c: {  	_ =	shalt  }
0x4d: {  	_ =	shalt  }
0x4e: {  	_ =	shalt  }
0x4f: {  	_ =	shalt  }
0x50: {  	_ =	shalt  }
0x51: {  	_ =	shalt  }
0x52: {  	_ =	shalt  }
0x53: {  	_ =	shalt  }
0x54: {  	_ =	shalt  }
0x55: {  	_ =	shalt  }
0x56: {  	_ =	shalt  }
0x57: {  	_ =	shalt  }
0x58: {  	_ =	shalt  }
0x59: {  	_ =	shalt  }
0x5a: {  	_ =	shalt  }
0x5b: {  	_ =	shalt  }
0x5c: {  	_ =	shalt  }
0x5d: {  	_ =	shalt  }
0x5e: {  	_ =	shalt  }
0x5f: {  	_ =	shalt  }
0x60: {  	_ =	shalt  }
0x61: {  	_ =	shalt  }
0x62: {  	_ =	shalt  }
0x63: {  	_ =	shalt  }
0x64: {  	_ =	shalt  }
0x65: {  	_ =	shalt  }
0x66: {  	_ =	shalt  }
0x67: {  	_ =	shalt  }
0x68: {  	_ =	shalt  }
0x69: {  	_ =	shalt  }
0x6a: {  	_ =	shalt  }
0x6b: {  	_ =	shalt  }
0x6c: {  	_ =	shalt  }
0x6d: {  	_ =	shalt  }
0x6e: {  	_ =	shalt  }
0x6f: {  	_ =	shalt  }
0x70: {  	_ =	shalt  }
0x71: {  	_ =	shalt  }
0x72: {  	_ =	shalt  }
0x73: {  	_ =	shalt  }
0x74: {  	_ =	shalt  }
0x75: {  	_ =	shalt  }
0x76: {  	_ =	shalt  }
0x77: {  	_ =	shalt  }
0x78: {  	_ =	shalt  }
0x79: {  	_ =	shalt  }
0x7a: {  	_ =	shalt  }
0x7b: {  	_ =	shalt  }
0x7c: {  	_ =	shalt  }
0x7d: {  	_ =	shalt  }
0x7e: {  	_ =	shalt  }
0x7f: {  	_ =	shalt  }
0x80: {  	_ =	shalt  }
0x81: {  	_ =	shalt  }
0x82: {  	_ =	shalt  }
0x83: {  	_ =	shalt  }
0x84: {  	_ =	shalt  }
0x85: {  	_ =	shalt  }
0x86: {  	_ =	shalt  }
0x87: {  	_ =	shalt  }
.Lfunc_end0:
.L_simem_size_0:
called_computation.1_lowered:
.L_overlay_start_0:
0x88: {  	s2 =	sld [smem:$0x3FD9]  }
0x89: {  	s3 =	sld [smem:$0x3FFE];
	_ =	sdelay $0x1  }
0x8a: {  	s1 =	srdreg.scid  }
0x8b: {  	s0 =	sand.u32 $0x1, s1  }
0x8c: {  	s14 =	sshll.u32 s0, $0xA;
	s2 =	sadd.s32 s3, s2  }
0x8d: {  	s2 =	sadd.s32 s2, s14  }
0x8e: {  	[smem:$0x3FC6] =	sst s2  }
0x8f: {  	_ = 	snop  }
0x90: {  	s2 =	sld [smem:$0x3FD0];
	_ =	sdelay $0x2  }
0x91: {  	s15 =	simm.s32 $0xA;
	s4 =	simm.s32 $0x10  }
0x92: {  	[smem:s4], [sflag:s15] =	dma.local [hbm:s2], $0x1  }
0x93: {  	_ =	swait.eq [sflag:s15], $0x1  }
0x94: {  	[sflag:s15] =	ssyncset.done $0x0  }
0x95: {  	[sflag:s15] =	ssyncadd.s32 $0xFFFFFFFF  }
0x96: {  	s16 =	sld [smem:$0x11];
	(tm) =	ssettm $0x1  }
0x97: {  	s17 =	sld [smem:$0x3FFB];
	_ =	sdelay $0x3  }
0x98: {  	_ =	strace s17  }
0x99: {  	s3 =	sld [smem:$0x3FFC];
	_ =	sdelay $0x3  }
0x9a: {  	_ =	strace s3  }
0x9b: {  	s3 =	sld [smem:$0x3FFD];
	_ =	sdelay $0x3  }
0x9c: {  	_ =	strace s3  }
0x9d: {  	_ =	strace $0x8FFFFFFF  }
0x9e: {  	s18 =	sld [smem:$0x3FDB];
	_ =	sdelay $0x1  }
0x9f: {  	s19 =	simm.s32 $_scs_section_size  }
0xa0: {  	s5 =	simm.s32 $_size__tile_overlayer_lowered;
	s6 =	simm.s32 $_tile_overlayer_lowered  }
0xa1: {  	s22 =	simm.s32 $0x1BFF;
	s21 =	sshll.u32 s6, $0x1;
	s3 =	sadd.s32 s19, s18  }
0xa2: {  	s7 =	simm.s32 $0x0;
	s20 =	sshll.u32 s5, $0x1;
	s5 =	sadd.s32 s21, s3  }
0xa3: {  	[timem:s7], [sflag:s22] =	dma.local [hbm:s5], s20  }
0xa4: {  	_ =	swait.ge [sflag:s22], s20  }
0xa5: {  	s4 =	ssub.s32 $0x0, s20;
	[sflag:s22] =	ssyncset.done $0x0  }
0xa6: {  	[sflag:s22] =	ssyncadd.s32 s4;
	_ =	sdelay $0x1  }
0xa7: {  	s23 =	simm.s32 $0x1B8B  }
0xa8: {  	_ =	swait.ge [sflag:s23], $0x1  }
0xa9: {  	[sflag:s23] =	ssyncset.done $0x0  }
0xaa: {  	s25 =	simm.s32 $0x1B8E;
	s24 =	sld [smem:$0x3FFE];
	[sflag:s23] =	ssyncadd.s32 $0xFFFFFFFF  }
0xab: {  	s26 =	simm.s32 $execute0_lowered;
	[smem:$0x3FD2] =	sst s25  }
0xac: {  	s5 =	sshll.u32 s26, $0x1;
	_ =	strace $0x80000049;
	[dreg:$0x1] =	wrdreg $0xFFFFFFFF  }
0xad: {  	s28 =	simm.s32 $_size_execute0_lowered;
	s3 =	sadd.s32 s3, s5;
	[dreg:$0x0] =	wrdreg $0x0  }
0xae: {  	s5 =	sshll.u32 s28, $0x1;
	[dreg:$0x2] =	wrdreg s3  }
0xaf: {  	[dreg:$0x3] =	wrdreg s5  }
0xb0: {  	[dreg:$0x4] =	wrdreg $0xC0  }
0xb1: {  	_ =	task [dreg:s7], $0x5FFFF  }
0xb2: {  	[dreg:$0x1] =	wrdreg $0xFFFFFFFF  }
0xb3: {  	[dreg:$0x0] =	wrdreg $0x60  }
0xb4: {  	[dreg:$0x2] =	wrdreg s24  }
0xb5: {  	[dreg:$0x3] =	wrdreg s16  }
0xb6: {  	[dreg:$0x4] =	wrdreg $0x9  }
0xb7: {  	_ =	task.clear_ibuf [dreg:s7], $0x5FFFF;
	_ =	strace $0x90000049  }
0xb8: {  	s29 =	simm.s32 $0x9;
	_ =	strace $0x8000004B  }
0xb9: {  	_ =	swait.ge [sflag:s29], $0x1  }
0xba: {  	[sflag:s29] =	ssyncadd.s32 $0xFFFFFFFF  }
0xbb: {  	_ =	strace $0x9000004B  }
0xbc: {  	_ =	sfence  }
0xbd: {  	s30 =	sld [smem:$0x0];
	_ =	sdelay $0x2  }
0xbe: {  	s31 =	sshll.u32 s1, $0xD;
	s1 =	sshrl.u32 s1, $0x2  }
0xbf: {  	s3 =	sand.u32 $0x4000, s31;
	s1 =	sadd.s32 s1, s30  }
0xc0: {  	s0 =	sor.u32 s3, s0;
	s1 =	sshll.u32 s1, $0x11  }
0xc1: {  	s0 =	sor.u32 s1, s0  }
0xc2: {  	s0 =	sadd.s32 $0x8F2B, s0  }
0xc3: {  	[sflag:s0] =	ssyncadd.remote.s32 $0x1  }
0xc4: {  	_ =	sfence.sel $0xFFFF  }
0xc5: {  	[dreg:$0x0] =	wrdreg $0xFFFFFFFF;
	(pc) =	sbr.abs _section_cstart, $3  }
0xc6: {  	[dreg:$0x1] =	wrdreg $0xFFFFFFFF  }
0xc7: {  	_ =	task.clear_ibuf [dreg:s7], $0x2FFFF;
	_ =	strace $0x9FFFFFFF  }
0xc8: {  	(tm) =	ssettm $0x7FFFFFFF  }
0xc9: {  	_ =	shalt  }
tec
execute0_lowered:
.L_overlay_start_1:
0x0: {  	(tag) =	ssettag $0x1  }
0x1: {  	s4 =	rddreg [dreg:$0x0]  }
0x2: {  	s5 =	rddreg [dreg:$0x1]  }
0x3: {  	s0 =	rddreg [dreg:$0x2];
	s2 =	simm.s32 $0x0;
	s3 =	srdreg.scid  }
0x4: {  	s1 =	stileid.u32;
	s10 =	simm.s32 $0x8100;
	s11 =	simm.s32 $0x100  }
0x5: {  	s12 =	simm.s32 $0x1;
	s13 =	simm.s32 $0x0;
	s6 =	sand.u32 $0x1, s3  }
0x6: {  	[smem:$0x7FF] =	sst s2;
	s7 =	sshll.u32 s1, $0x9;
	s8 =	sshll.u32 s6, $0x8  }
0x7: {  	s3 =	sadd.s32 $0xC0600, s4;
	s6 =	ssub.s32 $0x2, s6;
	s7 =	sor.u32 s8, s7  }
0x8: {  	_ =	strace $0x8000004A;
	s9 =	sshrl.u32 s6, $0x1;
	s8 =	sshll.u32 s7, $0x4  }
0x9: {  	s7 =	sshrl.u32 s7, $0x3;
	s9 =	ssub.s32 s6, s9;
	s8 =	sadd.s32 s8, s4  }
0xa: {  	s4 =	sadd.s32 s5, s7;
	s5 =	sadd.s32 $0x600, s8;
	s6 =	sadd.s32 $0x40600, s8  }
0xb: {  	s7 =	sadd.s32 $0xA0600, s8;
	s8 =	smax.u32 s9, $0x1;
	s9 =	simm.s32 $0x2  }
.LBB2_1:
0xc: {  	[tilespmem:s2], [sflag:$0x2] =	stream.linear.gather [hbm4b:s4+s2], $0x100, $0x38;
	[tilespmem:$0x10100] =	vst v63  }
0xd: {  	_ =	swait.ge [sflag:s9], $0x100  }
0xe: {  	[sflag:s9] =	ssyncset.done $0x0  }
0xf: {  	[sflag:s9] =	ssyncadd.s32 $0xFFFFFF00  }
0x10: {  	[tilespmem:s10], [sflag:$0x2] =	stream.linear.gather [hbm4b:s5+s2], $0x8000, $0x38;
	[tilespmem:$0x10100] =	vst v63  }
0x11: {  	_ =	swait.ge [sflag:s9], $0x8000  }
0x12: {  	[sflag:s9] =	ssyncset.done $0x0  }
0x13: {  	[sflag:s9] =	ssyncadd.s32 $0xFFFF8000  }
0x14: {  	[tilespmem:s11], [sflag:$0x1] =	stream.indirect.gather [hbm4b:s3+s11], $0x80, s2, s11, $0xb8;
	[tilespmem:$0x10100] =	vst v63  }
0x15: {  	_ =	swait.ge [sflag:s12], $0x8000  }
0x16: {  	[sflag:s12] =	ssyncset.done $0x0  }
0x17: {  	[sflag:s12] =	ssyncadd.s32 $0xFFFF8000  }
0x18: {  	[hbm4b:s6+s2] =	stream.linear.scatter [tilespmem:s11], [sflag:$0x2], $0x8000, $0x38;
	[tilespmem:$0x10100] =	vst v63  }
0x19: {  	_ =	swait.ge [sflag:s9], $0x8000  }
0x1a: {  	[sflag:s9] =	ssyncset.done $0x0  }
0x1b: {  	s14 =	simm.s32 $0x0;
	[sflag:s9] =	ssyncadd.s32 $0xFFFF8000  }
0x1c: {  	v1 =	vld [tilespmem:s14+$0x100]  }
0x1d: {  	v6 =	vld [tilespmem:s14+$0x110]  }
0x1e: {  	v5 =	vld [tilespmem:s14+$0x120]  }
0x1f: {  	v3 =	vld [tilespmem:s14+$0x130]  }
0x20: {  	v4 =	vld [tilespmem:s14+$0x8100]  }
0x21: {  	v2 =	vld [tilespmem:s14+$0x8110]  }
0x22: {  	s15 =	simm.s32 $0x200;
	v0 =	vld [tilespmem:s14+$0x8120]  }
.LBB2_2:
0x23: {  	p0 =	sne.s32 s15, $0x1FE00;
	v7 =	vld [tilespmem:s14+$0x8130];
	_ =	sdelay $0x1  }
0x24: {  	v1 =	vsub.f32 v1, v4  }
0x25: {  	v6 =	vsub.f32 v6, v2  }
0x26: {  	s16 =	sshra.s32 s15, $0x2;
	v8 =	vadd.f32 v1, v4;
	v5 =	vsub.f32 v5, v0  }
0x27: {  	v1 =	vld [tilespmem:s16+$0x100];
	v9 =	vadd.f32 v6, v2;
	v3 =	vsub.f32 v3, v7  }
0x28: {  	v6 =	vld [tilespmem:s16+$0x110];
	v4 =	vsub.f32 v4, v8;
	v8 =	vadd.f32 v5, v0  }
.Ltmp0:
0x29: {  	v5 =	vld [tilespmem:s16+$0x120];
	v2 =	vsub.f32 v2, v9;
	v9 =	vadd.f32 v3, v7;
	(pc) =	sbr.rel @p0 .LBB2_2-.Ltmp0, $4  }
0x2a: {  	v3 =	vld [tilespmem:s16+$0x130];
	[tilespmem:s14+$0x8100] =	vst v4;
	v0 =	vsub.f32 v0, v8  }
0x2b: {  	v4 =	vld [tilespmem:s16+$0x8100];
	[tilespmem:s14+$0x8110] =	vst v2;
	v7 =	vsub.f32 v7, v9  }
0x2c: {  	v2 =	vld [tilespmem:s16+$0x8110];
	[tilespmem:s14+$0x8120] =	vst v0  }
0x2d: {  	s15 =	sadd.s32 $0x200, s15;
	v0 =	vld [tilespmem:s16+$0x8120];
	[tilespmem:s14+$0x8130] =	vst v7;
	s14 =	smov.u32 s16  }
0x2e: {  	v7 =	vld [tilespmem:s14+$0x8130];
	_ =	sdelay $0x1  }
0x2f: {  	v1 =	vsub.f32 v1, v4  }
0x30: {  	v6 =	vsub.f32 v6, v2  }
0x31: {  	v1 =	vadd.f32 v1, v4;
	v5 =	vsub.f32 v5, v0  }
0x32: {  	v6 =	vadd.f32 v6, v2;
	v3 =	vsub.f32 v3, v7  }
0x33: {  	v1 =	vsub.f32 v4, v1;
	v62 =	vadd.f32 v5, v0  }
0x34: {  	v2 =	vsub.f32 v2, v6;
	v3 =	vadd.f32 v3, v7  }
0x35: {  	[tilespmem:s14+$0x8100] =	vst v1;
	v0 =	vsub.f32 v0, v62  }
0x36: {  	s13 =	sadd.s32 $0x1, s13;
	[tilespmem:s14+$0x8110] =	vst v2;
	v63 =	vsub.f32 v7, v3  }
0x37: {  	p0 =	sne.s32 s13, s8;
	[tilespmem:s14+$0x8120] =	vst v0  }
.Ltmp1:
0x38: {  	[tilespmem:s14+$0x8130] =	vst v63;
	(pc) =	sbr.rel @p0 .LBB2_1-.Ltmp1, $4  }
0x39: {  	[hbm4b:s7+s2] =	stream.linear.scatter [tilespmem:s10], [sflag:$0x2], $0x8000, $0x38;
	[tilespmem:$0x10100] =	vst v63  }
0x3a: {  	_ =	swait.ge [sflag:s9], $0x8000  }
0x3b: {  	[sflag:s9] =	ssyncset.done $0x0  }
0x3c: {  	[sflag:s9] =	ssyncadd.s32 $0xFFFF8000  }
0x3d: {  	_ =	sfence.sel $0x180000  }
0x3e: {  	[bflag:$0x0] =	sbarrier.arrive $0xFFFF  }
0x3f: {  	p0 =	sne.s32 s1, $0x0;
	_ =	strace $0x9000004A  }
0x40: {  	s0 =	sadd.s32 @!p0 $0x100000, s0;
	[bflag:$0x2] =	sbarrier.arrive $0xFFFF  }
0x41: {  	[sflag:s0] =	ssyncadd.tile.s32 @!p0 $0x1;
	_ =	shalt  }
.Lfunc_end2:
_tile_overlayer_lowered:
.L_overlay_start_2:
0x42: {  	(tag) =	ssettag $0x2  }
0x43: {  	s0 =	rddreg [dreg:$0x0];
	s2 =	stileid.u32  }
0x44: {  	s1 =	rddreg [dreg:$0x1];
	p0 =	sne.s32 s2, $0x0  }
0x45: {  	s3 =	rddreg [dreg:$0x2];
	[bflag:$0x3] =	sbarrier.arrive $0xFFFF;
	s2 =	simm.s32 @!p0 $0x1C02  }
0x46: {  	[timem:s3], [sflag:s2] =	dma.local @!p0 [hbm:s0], s1  }
0x47: {  	s0 =	simm.s32 @!p0 $0x2  }
0x48: {  	_ =	swait.ge @!p0 [sflag:s0], s1  }
0x49: {  	s1 =	ssub.s32 @!p0 $0x0, s1;
	[sflag:s0] =	ssyncset.done @!p0 $0x0  }
0x4a: {  	[sflag:s0] =	ssyncadd.s32 @!p0 s1  }
0x4b: {  	[bflag:$0x3] =	sbarrier.arrive $0xFFFF  }
0x4c: {  	_ =	shalt  }

// kernel: kernel.17.cloned.1.call-start
scs
__scs_entry_jumppad:
0x0: {  	(pc) =	sbr.rel $0x88, $3  }
0x1: {  	(tag) =	ssettag $0x0;
	lr =	simm.s32 $0x1  }
0x2: {  	[smem:$0x3F9F] =	sst lr;
	_ =	strace $0xD0000000  }
0x3: {  	_ = 	snop  }
0x4: {  	_ = 	snop  }
0x5: {  	_ = 	snop  }
0x6: {  	_ = 	snop  }
0x7: {  	_ = 	snop  }
__scs_overlays_trampoline_lowered:
0x8: {  	[smem:$0x3FAE] =	sst s0  }
0x9: {  	[smem:$0x3FAF] =	sst s1  }
0xa: {  	[smem:$0x3FB0] =	sst s2  }
0xb: {  	[smem:$0x3FB1] =	sst s3  }
0xc: {  	[smem:$0x3FB2] =	sst s4  }
0xd: {  	[smem:$0x3FB3] =	sst s5  }
0xe: {  	[smem:$0x3FB4] =	sst s6  }
0xf: {  	[smem:$0x3FB5] =	sst s7  }
0x10: {  	[smem:$0x3FB6] =	sst s8  }
0x11: {  	[smem:$0x3FB7] =	sst s9;
	s0 =	simm.s32 @!p0 $0x0  }
0x12: {  	s1 =	sld [smem:$0x3F9D];
	s0 =	simm.s32 @p0 $0x1  }
0x13: {  	[smem:$0x3FB8] =	sst s0;
	s0 =	simm.s32 @!p1 $0x0  }
0x14: {  	s2 =	sld [smem:$0x3F9C];
	s0 =	simm.s32 @p1 $0x1  }
0x15: {  	[smem:$0x3FB9] =	sst s0;
	s0 =	simm.s32 @!p2 $0x0  }
0x16: {  	s3 =	sld [smem:$0x3FDB];
	s0 =	simm.s32 @p2 $0x1  }
0x17: {  	s4 =	simm.s32 $0x1BF5;
	[smem:$0x3FBB] =	sst s0  }
0x18: {  	s0 =	sld [smem:$0x3F9E];
	_ =	swait.ge [sflag:s4], $0x0  }
0x19: {  	s7 =	sld [smem:$0x3F9F]  }
0x1a: {  	s8 =	sadd.s32 $0xFFFFE003, lr  }
0x1b: {  	s9 =	sadd.s32 $0xFFFFFEF7, lr;
	s5 =	simm.s32 $0xFFFFFFFF;
	p2 =	slt.u32 s8, $0xFFFFF086  }
0x1c: {  	p1 =	slt.u32 s9, $0xF7A;
	s5 =	simm.s32 @!p2 $0x0  }
0x1d: {  	s5 =	simm.s32 @p1 $0x1;
	p0 =	seq.s32 s7, s2  }
0x1e: {  	s7 =	smul.u32 @!p0 $0xF7A, s2;
	p2 =	seq.s32 @!p0 s5, $0x0  }
0x1f: {  	s9 =	smul.u32 $0xF7A, s1;
	s8 =	simm.s32 @!p0 $0x1BF5;
	p2 =	por !p2, p0  }
0x20: {  	[sflag:s8] =	ssyncset.s32 @!p0 $0xFFFFF086;
	s6 =	sadd.s32 @!p0 s3, s7;
	s7 =	simm.s32 @!p0 $0x108  }
0x21: {  	s3 =	sadd.s32 s3, s9;
	s6 =	sadd.s32 @!p0 $0x88, s6;
	s7 =	simm.s32 @p2 $0x1082  }
0x22: {  	[simem:s7], [sflag:s8] =	dma.local @!p0 [hbm:s6], $0xF7A  }
0x23: {  	s9 =	sor.u32 $0xD0000000, s2;
	s6 =	simm.s32 $0x108;
	_ =	swait.ge @!p0 [sflag:s8], $0x0  }
0x24: {  	s3 =	sadd.s32 $0x88, s3;
	s6 =	simm.s32 @!p1 $0x1082;
	[sflag:s4] =	ssyncset.s32 $0xFFFFF086  }
0x25: {  	[simem:s6], [sflag:s4] =	dma.local [hbm:s3], $0xF7A  }
0x26: {  	[smem:$0x3F9F] =	sst s1;
	(tag) =	ssettag s2;
	_ =	strace s9  }
0x27: {  	s1 =	sld [smem:$0x3FAF]  }
0x28: {  	s2 =	sld [smem:$0x3FB0]  }
0x29: {  	s4 =	sld [smem:$0x3FB2]  }
0x2a: {  	p0 =	seq.s32 s5, $0x0;
	s5 =	sld [smem:$0x3FB3]  }
0x2b: {  	s6 =	sld [smem:$0x3FB4]  }
0x2c: {  	s7 =	sld [smem:$0x3FB5]  }
0x2d: {  	s3 =	simm.s32 $0x108;
	s8 =	sld [smem:$0x3FB6]  }
0x2e: {  	s3 =	simm.s32 @!p0 $0x1082;
	s9 =	sld [smem:$0x3FB7]  }
0x2f: {  	lr =	sadd.s32 s0, s3;
	s0 =	sld [smem:$0x3FAE]  }
0x30: {  	s3 =	sld [smem:$0x3FB1]  }
0x31: {  	[smem:$0x3FBA] =	sst s10  }
0x32: {  	s10 =	sld [smem:$0x3FB8];
	_ =	sdelay $0x3  }
0x33: {  	p0 =	seq.s32 s10, $0x1;
	s10 =	sld [smem:$0x3FBA];
	_ =	sdelay $0x3  }
0x34: {  	[smem:$0x3FBA] =	sst s10  }
0x35: {  	s10 =	sld [smem:$0x3FB9];
	_ =	sdelay $0x3  }
0x36: {  	p1 =	seq.s32 s10, $0x1;
	s10 =	sld [smem:$0x3FBA];
	_ =	sdelay $0x3  }
0x37: {  	[smem:$0x3FBA] =	sst s10  }
0x38: {  	s10 =	sld [smem:$0x3FBB]  }
0x39: {  	_ = 	snop;
	(pc) =	sbr.ind lr, $3  }
0x3a: {  	_ = 	snop  }
0x3b: {  	_ = 	snop  }
0x3c: {  	p2 =	seq.s32 s10, $0x1;
	s10 =	sld [smem:$0x3FBA]  }
0x3d: {  	_ =	shalt  }
0x3e: {  	_ =	shalt  }
0x3f: {  	_ =	shalt  }
0x40: {  	_ =	shalt  }
0x41: {  	_ =	shalt  }
0x42: {  	_ =	shalt  }
0x43: {  	_ =	shalt  }
0x44: {  	_ =	shalt  }
0x45: {  	_ =	shalt  }
0x46: {  	_ =	shalt  }
0x47: {  	_ =	shalt  }
0x48: {  	_ =	shalt  }
0x49: {  	_ =	shalt  }
0x4a: {  	_ =	shalt  }
0x4b: {  	_ =	shalt  }
0x4c: {  	_ =	shalt  }
0x4d: {  	_ =	shalt  }
0x4e: {  	_ =	shalt  }
0x4f: {  	_ =	shalt  }
0x50: {  	_ =	shalt  }
0x51: {  	_ =	shalt  }
0x52: {  	_ =	shalt  }
0x53: {  	_ =	shalt  }
0x54: {  	_ =	shalt  }
0x55: {  	_ =	shalt  }
0x56: {  	_ =	shalt  }
0x57: {  	_ =	shalt  }
0x58: {  	_ =	shalt  }
0x59: {  	_ =	shalt  }
0x5a: {  	_ =	shalt  }
0x5b: {  	_ =	shalt  }
0x5c: {  	_ =	shalt  }
0x5d: {  	_ =	shalt  }
0x5e: {  	_ =	shalt  }
0x5f: {  	_ =	shalt  }
0x60: {  	_ =	shalt  }
0x61: {  	_ =	shalt  }
0x62: {  	_ =	shalt  }
0x63: {  	_ =	shalt  }
0x64: {  	_ =	shalt  }
0x65: {  	_ =	shalt  }
0x66: {  	_ =	shalt  }
0x67: {  	_ =	shalt  }
0x68: {  	_ =	shalt  }
0x69: {  	_ =	shalt  }
0x6a: {  	_ =	shalt  }
0x6b: {  	_ =	shalt  }
0x6c: {  	_ =	shalt  }
0x6d: {  	_ =	shalt  }
0x6e: {  	_ =	shalt  }
0x6f: {  	_ =	shalt  }
0x70: {  	_ =	shalt  }
0x71: {  	_ =	shalt  }
0x72: {  	_ =	shalt  }
0x73: {  	_ =	shalt  }
0x74: {  	_ =	shalt  }
0x75: {  	_ =	shalt  }
0x76: {  	_ =	shalt  }
0x77: {  	_ =	shalt  }
0x78: {  	_ =	shalt  }
0x79: {  	_ =	shalt  }
0x7a: {  	_ =	shalt  }
0x7b: {  	_ =	shalt  }
0x7c: {  	_ =	shalt  }
0x7d: {  	_ =	shalt  }
0x7e: {  	_ =	shalt  }
0x7f: {  	_ =	shalt  }
0x80: {  	_ =	shalt  }
0x81: {  	_ =	shalt  }
0x82: {  	_ =	shalt  }
0x83: {  	_ =	shalt  }
0x84: {  	_ =	shalt  }
0x85: {  	_ =	shalt  }
0x86: {  	_ =	shalt  }
0x87: {  	_ =	shalt  }
.Lfunc_end0:
.L_simem_size_0:
called_computation.2_lowered:
.L_overlay_start_0:
0x88: {  	s2 =	sld [smem:$0x3FD9]  }
0x89: {  	s3 =	sld [smem:$0x3FFE];
	_ =	sdelay $0x1  }
0x8a: {  	s1 =	srdreg.scid  }
0x8b: {  	s0 =	sand.u32 $0x1, s1  }
0x8c: {  	s14 =	sshll.u32 s0, $0xA;
	s2 =	sadd.s32 s3, s2  }
0x8d: {  	s2 =	sadd.s32 s2, s14  }
0x8e: {  	[smem:$0x3FC6] =	sst s2  }
0x8f: {  	_ = 	snop  }
0x90: {  	s2 =	sld [smem:$0x3FD0];
	_ =	sdelay $0x2  }
0x91: {  	s15 =	simm.s32 $0xA;
	s4 =	simm.s32 $0x10  }
0x92: {  	[smem:s4], [sflag:s15] =	dma.local [hbm:s2], $0x1  }
0x93: {  	_ =	swait.eq [sflag:s15], $0x1  }
0x94: {  	[sflag:s15] =	ssyncset.done $0x0  }
0x95: {  	[sflag:s15] =	ssyncadd.s32 $0xFFFFFFFF  }
0x96: {  	s16 =	sld [smem:$0x11];
	(tm) =	ssettm $0x1  }
0x97: {  	s17 =	sld [smem:$0x3FFB];
	_ =	sdelay $0x3  }
0x98: {  	_ =	strace s17  }
0x99: {  	s3 =	sld [smem:$0x3FFC];
	_ =	sdelay $0x3  }
0x9a: {  	_ =	strace s3  }
0x9b: {  	s3 =	sld [smem:$0x3FFD];
	_ =	sdelay $0x3  }
0x9c: {  	_ =	strace s3  }
0x9d: {  	_ =	strace $0x8FFFFFFF  }
0x9e: {  	s18 =	sld [smem:$0x3FDB];
	_ =	sdelay $0x1  }
0x9f: {  	s19 =	simm.s32 $_scs_section_size  }
0xa0: {  	s5 =	simm.s32 $_size__tile_overlayer_lowered;
	s6 =	simm.s32 $_tile_overlayer_lowered  }
0xa1: {  	s22 =	simm.s32 $0x1BFF;
	s21 =	sshll.u32 s6, $0x1;
	s3 =	sadd.s32 s19, s18  }
0xa2: {  	s7 =	simm.s32 $0x0;
	s20 =	sshll.u32 s5, $0x1;
	s5 =	sadd.s32 s21, s3  }
0xa3: {  	[timem:s7], [sflag:s22] =	dma.local [hbm:s5], s20  }
0xa4: {  	_ =	swait.ge [sflag:s22], s20  }
0xa5: {  	s4 =	ssub.s32 $0x0, s20;
	[sflag:s22] =	ssyncset.done $0x0  }
0xa6: {  	[sflag:s22] =	ssyncadd.s32 s4;
	_ =	sdelay $0x1  }
0xa7: {  	s23 =	simm.s32 $0x1B8B  }
0xa8: {  	_ =	swait.ge [sflag:s23], $0x1  }
0xa9: {  	[sflag:s23] =	ssyncset.done $0x0  }
0xaa: {  	s25 =	simm.s32 $0x1B8E;
	s24 =	sld [smem:$0x3FFE];
	[sflag:s23] =	ssyncadd.s32 $0xFFFFFFFF  }
0xab: {  	s26 =	simm.s32 $execute0_lowered;
	[smem:$0x3FD2] =	sst s25  }
0xac: {  	s5 =	sshll.u32 s26, $0x1;
	_ =	strace $0x8000004C;
	[dreg:$0x1] =	wrdreg $0xFFFFFFFF  }
0xad: {  	s28 =	simm.s32 $_size_execute0_lowered;
	s3 =	sadd.s32 s3, s5;
	[dreg:$0x0] =	wrdreg $0x0  }
0xae: {  	s5 =	sshll.u32 s28, $0x1;
	[dreg:$0x2] =	wrdreg s3  }
0xaf: {  	[dreg:$0x3] =	wrdreg s5  }
0xb0: {  	[dreg:$0x4] =	wrdreg $0xC0  }
0xb1: {  	_ =	task [dreg:s7], $0x5FFFF  }
0xb2: {  	[dreg:$0x1] =	wrdreg $0xFFFFFFFF  }
0xb3: {  	[dreg:$0x0] =	wrdreg $0x60  }
0xb4: {  	[dreg:$0x2] =	wrdreg s24  }
0xb5: {  	[dreg:$0x3] =	wrdreg s16  }
0xb6: {  	[dreg:$0x4] =	wrdreg $0x9  }
0xb7: {  	_ =	task.clear_ibuf [dreg:s7], $0x5FFFF;
	_ =	strace $0x9000004C  }
0xb8: {  	s29 =	simm.s32 $0x9;
	_ =	strace $0x8000004E  }
0xb9: {  	_ =	swait.ge [sflag:s29], $0x1  }
0xba: {  	[sflag:s29] =	ssyncadd.s32 $0xFFFFFFFF  }
0xbb: {  	_ =	strace $0x9000004E  }
0xbc: {  	_ =	sfence  }
0xbd: {  	s30 =	sld [smem:$0x0];
	_ =	sdelay $0x2  }
0xbe: {  	s31 =	sshll.u32 s1, $0xD;
	s1 =	sshrl.u32 s1, $0x2  }
0xbf: {  	s3 =	sand.u32 $0x4000, s31;
	s1 =	sadd.s32 s1, s30  }
0xc0: {  	s0 =	sor.u32 s3, s0;
	s1 =	sshll.u32 s1, $0x11  }
0xc1: {  	s0 =	sor.u32 s1, s0  }
0xc2: {  	s0 =	sadd.s32 $0x8F2B, s0  }
0xc3: {  	[sflag:s0] =	ssyncadd.remote.s32 $0x1  }
0xc4: {  	_ =	sfence.sel $0xFFFF  }
0xc5: {  	[dreg:$0x0] =	wrdreg $0xFFFFFFFF;
	(pc) =	sbr.abs _section_cstart, $3  }
0xc6: {  	[dreg:$0x1] =	wrdreg $0xFFFFFFFF  }
0xc7: {  	_ =	task.clear_ibuf [dreg:s7], $0x2FFFF;
	_ =	strace $0x9FFFFFFF  }
0xc8: {  	(tm) =	ssettm $0x7FFFFFFF  }
0xc9: {  	_ =	shalt  }
tec
execute0_lowered:
.L_overlay_start_1:
0x0: {  	(tag) =	ssettag $0x1  }
0x1: {  	s4 =	rddreg [dreg:$0x0]  }
0x2: {  	s5 =	rddreg [dreg:$0x1]  }
0x3: {  	s0 =	rddreg [dreg:$0x2];
	s2 =	simm.s32 $0x0;
	s3 =	srdreg.scid  }
0x4: {  	s1 =	stileid.u32;
	s10 =	simm.s32 $0x8100;
	s11 =	simm.s32 $0x100  }
0x5: {  	s12 =	simm.s32 $0x1;
	s13 =	simm.s32 $0x0;
	s6 =	sand.u32 $0x1, s3  }
0x6: {  	[smem:$0x7FF] =	sst s2;
	s7 =	sshll.u32 s1, $0x9;
	s8 =	sshll.u32 s6, $0x8  }
0x7: {  	s3 =	sadd.s32 $0xE0600, s4;
	s6 =	ssub.s32 $0x2, s6;
	s7 =	sor.u32 s8, s7  }
0x8: {  	_ =	strace $0x8000004D;
	s9 =	sshrl.u32 s6, $0x1;
	s8 =	sshll.u32 s7, $0x4  }
0x9: {  	s7 =	sshrl.u32 s7, $0x3;
	s9 =	ssub.s32 s6, s9;
	s8 =	sadd.s32 s8, s4  }
0xa: {  	s4 =	sadd.s32 s5, s7;
	s5 =	sadd.s32 $0xA0600, s8;
	s6 =	sadd.s32 $0xC0600, s8  }
0xb: {  	s7 =	sadd.s32 $0x60600, s8;
	s8 =	smax.u32 s9, $0x1;
	s9 =	simm.s32 $0x2  }
.LBB2_1:
0xc: {  	[tilespmem:s2], [sflag:$0x2] =	stream.linear.gather [hbm4b:s4+s2], $0x100, $0x38;
	[tilespmem:$0x10100] =	vst v63  }
0xd: {  	_ =	swait.ge [sflag:s9], $0x100  }
0xe: {  	[sflag:s9] =	ssyncset.done $0x0  }
0xf: {  	[sflag:s9] =	ssyncadd.s32 $0xFFFFFF00  }
0x10: {  	[tilespmem:s10], [sflag:$0x2] =	stream.linear.gather [hbm4b:s5+s2], $0x8000, $0x38;
	[tilespmem:$0x10100] =	vst v63  }
0x11: {  	_ =	swait.ge [sflag:s9], $0x8000  }
0x12: {  	[sflag:s9] =	ssyncset.done $0x0  }
0x13: {  	[sflag:s9] =	ssyncadd.s32 $0xFFFF8000  }
0x14: {  	[tilespmem:s11], [sflag:$0x1] =	stream.indirect.gather [hbm4b:s3+s11], $0x80, s2, s11, $0xb8;
	[tilespmem:$0x10100] =	vst v63  }
0x15: {  	_ =	swait.ge [sflag:s12], $0x8000  }
0x16: {  	[sflag:s12] =	ssyncset.done $0x0  }
0x17: {  	[sflag:s12] =	ssyncadd.s32 $0xFFFF8000  }
0x18: {  	[hbm4b:s6+s2] =	stream.linear.scatter [tilespmem:s11], [sflag:$0x2], $0x8000, $0x38;
	[tilespmem:$0x10100] =	vst v63  }
0x19: {  	_ =	swait.ge [sflag:s9], $0x8000  }
0x1a: {  	[sflag:s9] =	ssyncset.done $0x0  }
0x1b: {  	s14 =	simm.s32 $0x0;
	[sflag:s9] =	ssyncadd.s32 $0xFFFF8000  }
0x1c: {  	v1 =	vld [tilespmem:s14+$0x100]  }
0x1d: {  	v6 =	vld [tilespmem:s14+$0x110]  }
0x1e: {  	v5 =	vld [tilespmem:s14+$0x120]  }
0x1f: {  	v3 =	vld [tilespmem:s14+$0x130]  }
0x20: {  	v4 =	vld [tilespmem:s14+$0x8100]  }
0x21: {  	v2 =	vld [tilespmem:s14+$0x8110]  }
0x22: {  	s15 =	simm.s32 $0x200;
	v0 =	vld [tilespmem:s14+$0x8120]  }
.LBB2_2:
0x23: {  	p0 =	sne.s32 s15, $0x1FE00;
	v7 =	vld [tilespmem:s14+$0x8130];
	_ =	sdelay $0x1  }
0x24: {  	v1 =	vsub.f32 v1, v4  }
0x25: {  	v6 =	vsub.f32 v6, v2  }
0x26: {  	s16 =	sshra.s32 s15, $0x2;
	v8 =	vadd.f32 v1, v4;
	v5 =	vsub.f32 v5, v0  }
0x27: {  	v1 =	vld [tilespmem:s16+$0x100];
	v9 =	vadd.f32 v6, v2;
	v3 =	vsub.f32 v3, v7  }
0x28: {  	v6 =	vld [tilespmem:s16+$0x110];
	v4 =	vsub.f32 v4, v8;
	v8 =	vadd.f32 v5, v0  }
.Ltmp0:
0x29: {  	v5 =	vld [tilespmem:s16+$0x120];
	v2 =	vsub.f32 v2, v9;
	v9 =	vadd.f32 v3, v7;
	(pc) =	sbr.rel @p0 .LBB2_2-.Ltmp0, $4  }
0x2a: {  	v3 =	vld [tilespmem:s16+$0x130];
	[tilespmem:s14+$0x8100] =	vst v4;
	v0 =	vsub.f32 v0, v8  }
0x2b: {  	v4 =	vld [tilespmem:s16+$0x8100];
	[tilespmem:s14+$0x8110] =	vst v2;
	v7 =	vsub.f32 v7, v9  }
0x2c: {  	v2 =	vld [tilespmem:s16+$0x8110];
	[tilespmem:s14+$0x8120] =	vst v0  }
0x2d: {  	s15 =	sadd.s32 $0x200, s15;
	v0 =	vld [tilespmem:s16+$0x8120];
	[tilespmem:s14+$0x8130] =	vst v7;
	s14 =	smov.u32 s16  }
0x2e: {  	v7 =	vld [tilespmem:s14+$0x8130];
	_ =	sdelay $0x1  }
0x2f: {  	v1 =	vsub.f32 v1, v4  }
0x30: {  	v6 =	vsub.f32 v6, v2  }
0x31: {  	v1 =	vadd.f32 v1, v4;
	v5 =	vsub.f32 v5, v0  }
0x32: {  	v6 =	vadd.f32 v6, v2;
	v3 =	vsub.f32 v3, v7  }
0x33: {  	v1 =	vsub.f32 v4, v1;
	v62 =	vadd.f32 v5, v0  }
0x34: {  	v2 =	vsub.f32 v2, v6;
	v3 =	vadd.f32 v3, v7  }
0x35: {  	[tilespmem:s14+$0x8100] =	vst v1;
	v0 =	vsub.f32 v0, v62  }
0x36: {  	s13 =	sadd.s32 $0x1, s13;
	[tilespmem:s14+$0x8110] =	vst v2;
	v63 =	vsub.f32 v7, v3  }
0x37: {  	p0 =	sne.s32 s13, s8;
	[tilespmem:s14+$0x8120] =	vst v0  }
.Ltmp1:
0x38: {  	[tilespmem:s14+$0x8130] =	vst v63;
	(pc) =	sbr.rel @p0 .LBB2_1-.Ltmp1, $4  }
0x39: {  	[hbm4b:s7+s2] =	stream.linear.scatter [tilespmem:s10], [sflag:$0x2], $0x8000, $0x38;
	[tilespmem:$0x10100] =	vst v63  }
0x3a: {  	_ =	swait.ge [sflag:s9], $0x8000  }
0x3b: {  	[sflag:s9] =	ssyncset.done $0x0  }
0x3c: {  	[sflag:s9] =	ssyncadd.s32 $0xFFFF8000  }
0x3d: {  	_ =	sfence.sel $0x180000  }
0x3e: {  	[bflag:$0x0] =	sbarrier.arrive $0xFFFF  }
0x3f: {  	p0 =	sne.s32 s1, $0x0;
	_ =	strace $0x9000004D  }
0x40: {  	s0 =	sadd.s32 @!p0 $0x100000, s0;
	[bflag:$0x2] =	sbarrier.arrive $0xFFFF  }
0x41: {  	[sflag:s0] =	ssyncadd.tile.s32 @!p0 $0x1;
	_ =	shalt  }
.Lfunc_end2:
_tile_overlayer_lowered:
.L_overlay_start_2:
0x42: {  	(tag) =	ssettag $0x2  }
0x43: {  	s0 =	rddreg [dreg:$0x0];
	s2 =	stileid.u32  }
0x44: {  	s1 =	rddreg [dreg:$0x1];
	p0 =	sne.s32 s2, $0x0  }
0x45: {  	s3 =	rddreg [dreg:$0x2];
	[bflag:$0x3] =	sbarrier.arrive $0xFFFF;
	s2 =	simm.s32 @!p0 $0x1C02  }
0x46: {  	[timem:s3], [sflag:s2] =	dma.local @!p0 [hbm:s0], s1  }
0x47: {  	s0 =	simm.s32 @!p0 $0x2  }
0x48: {  	_ =	swait.ge @!p0 [sflag:s0], s1  }
0x49: {  	s1 =	ssub.s32 @!p0 $0x0, s1;
	[sflag:s0] =	ssyncset.done @!p0 $0x0  }
0x4a: {  	[sflag:s0] =	ssyncadd.s32 @!p0 s1  }
0x4b: {  	[bflag:$0x3] =	sbarrier.arrive $0xFFFF  }
0x4c: {  	_ =	shalt  }

// kernel: kernel.20.cloned.1.call-start
scs
__scs_entry_jumppad:
0x0: {  	(pc) =	sbr.rel $0x88, $3  }
0x1: {  	(tag) =	ssettag $0x0;
	lr =	simm.s32 $0x1  }
0x2: {  	[smem:$0x3F9F] =	sst lr;
	_ =	strace $0xD0000000  }
0x3: {  	_ = 	snop  }
0x4: {  	_ = 	snop  }
0x5: {  	_ = 	snop  }
0x6: {  	_ = 	snop  }
0x7: {  	_ = 	snop  }
__scs_overlays_trampoline_lowered:
0x8: {  	[smem:$0x3FAE] =	sst s0  }
0x9: {  	[smem:$0x3FAF] =	sst s1  }
0xa: {  	[smem:$0x3FB0] =	sst s2  }
0xb: {  	[smem:$0x3FB1] =	sst s3  }
0xc: {  	[smem:$0x3FB2] =	sst s4  }
0xd: {  	[smem:$0x3FB3] =	sst s5  }
0xe: {  	[smem:$0x3FB4] =	sst s6  }
0xf: {  	[smem:$0x3FB5] =	sst s7  }
0x10: {  	[smem:$0x3FB6] =	sst s8  }
0x11: {  	[smem:$0x3FB7] =	sst s9;
	s0 =	simm.s32 @!p0 $0x0  }
0x12: {  	s1 =	sld [smem:$0x3F9D];
	s0 =	simm.s32 @p0 $0x1  }
0x13: {  	[smem:$0x3FB8] =	sst s0;
	s0 =	simm.s32 @!p1 $0x0  }
0x14: {  	s2 =	sld [smem:$0x3F9C];
	s0 =	simm.s32 @p1 $0x1  }
0x15: {  	[smem:$0x3FB9] =	sst s0;
	s0 =	simm.s32 @!p2 $0x0  }
0x16: {  	s3 =	sld [smem:$0x3FDB];
	s0 =	simm.s32 @p2 $0x1  }
0x17: {  	s4 =	simm.s32 $0x1BF5;
	[smem:$0x3FBB] =	sst s0  }
0x18: {  	s0 =	sld [smem:$0x3F9E];
	_ =	swait.ge [sflag:s4], $0x0  }
0x19: {  	s7 =	sld [smem:$0x3F9F]  }
0x1a: {  	s8 =	sadd.s32 $0xFFFFE003, lr  }
0x1b: {  	s9 =	sadd.s32 $0xFFFFFEF7, lr;
	s5 =	simm.s32 $0xFFFFFFFF;
	p2 =	slt.u32 s8, $0xFFFFF086  }
0x1c: {  	p1 =	slt.u32 s9, $0xF7A;
	s5 =	simm.s32 @!p2 $0x0  }
0x1d: {  	s5 =	simm.s32 @p1 $0x1;
	p0 =	seq.s32 s7, s2  }
0x1e: {  	s7 =	smul.u32 @!p0 $0xF7A, s2;
	p2 =	seq.s32 @!p0 s5, $0x0  }
0x1f: {  	s9 =	smul.u32 $0xF7A, s1;
	s8 =	simm.s32 @!p0 $0x1BF5;
	p2 =	por !p2, p0  }
0x20: {  	[sflag:s8] =	ssyncset.s32 @!p0 $0xFFFFF086;
	s6 =	sadd.s32 @!p0 s3, s7;
	s7 =	simm.s32 @!p0 $0x108  }
0x21: {  	s3 =	sadd.s32 s3, s9;
	s6 =	sadd.s32 @!p0 $0x88, s6;
	s7 =	simm.s32 @p2 $0x1082  }
0x22: {  	[simem:s7], [sflag:s8] =	dma.local @!p0 [hbm:s6], $0xF7A  }
0x23: {  	s9 =	sor.u32 $0xD0000000, s2;
	s6 =	simm.s32 $0x108;
	_ =	swait.ge @!p0 [sflag:s8], $0x0  }
0x24: {  	s3 =	sadd.s32 $0x88, s3;
	s6 =	simm.s32 @!p1 $0x1082;
	[sflag:s4] =	ssyncset.s32 $0xFFFFF086  }
0x25: {  	[simem:s6], [sflag:s4] =	dma.local [hbm:s3], $0xF7A  }
0x26: {  	[smem:$0x3F9F] =	sst s1;
	(tag) =	ssettag s2;
	_ =	strace s9  }
0x27: {  	s1 =	sld [smem:$0x3FAF]  }
0x28: {  	s2 =	sld [smem:$0x3FB0]  }
0x29: {  	s4 =	sld [smem:$0x3FB2]  }
0x2a: {  	p0 =	seq.s32 s5, $0x0;
	s5 =	sld [smem:$0x3FB3]  }
0x2b: {  	s6 =	sld [smem:$0x3FB4]  }
0x2c: {  	s7 =	sld [smem:$0x3FB5]  }
0x2d: {  	s3 =	simm.s32 $0x108;
	s8 =	sld [smem:$0x3FB6]  }
0x2e: {  	s3 =	simm.s32 @!p0 $0x1082;
	s9 =	sld [smem:$0x3FB7]  }
0x2f: {  	lr =	sadd.s32 s0, s3;
	s0 =	sld [smem:$0x3FAE]  }
0x30: {  	s3 =	sld [smem:$0x3FB1]  }
0x31: {  	[smem:$0x3FBA] =	sst s10  }
0x32: {  	s10 =	sld [smem:$0x3FB8];
	_ =	sdelay $0x3  }
0x33: {  	p0 =	seq.s32 s10, $0x1;
	s10 =	sld [smem:$0x3FBA];
	_ =	sdelay $0x3  }
0x34: {  	[smem:$0x3FBA] =	sst s10  }
0x35: {  	s10 =	sld [smem:$0x3FB9];
	_ =	sdelay $0x3  }
0x36: {  	p1 =	seq.s32 s10, $0x1;
	s10 =	sld [smem:$0x3FBA];
	_ =	sdelay $0x3  }
0x37: {  	[smem:$0x3FBA] =	sst s10  }
0x38: {  	s10 =	sld [smem:$0x3FBB]  }
0x39: {  	_ = 	snop;
	(pc) =	sbr.ind lr, $3  }
0x3a: {  	_ = 	snop  }
0x3b: {  	_ = 	snop  }
0x3c: {  	p2 =	seq.s32 s10, $0x1;
	s10 =	sld [smem:$0x3FBA]  }
0x3d: {  	_ =	shalt  }
0x3e: {  	_ =	shalt  }
0x3f: {  	_ =	shalt  }
0x40: {  	_ =	shalt  }
0x41: {  	_ =	shalt  }
0x42: {  	_ =	shalt  }
0x43: {  	_ =	shalt  }
0x44: {  	_ =	shalt  }
0x45: {  	_ =	shalt  }
0x46: {  	_ =	shalt  }
0x47: {  	_ =	shalt  }
0x48: {  	_ =	shalt  }
0x49: {  	_ =	shalt  }
0x4a: {  	_ =	shalt  }
0x4b: {  	_ =	shalt  }
0x4c: {  	_ =	shalt  }
0x4d: {  	_ =	shalt  }
0x4e: {  	_ =	shalt  }
0x4f: {  	_ =	shalt  }
0x50: {  	_ =	shalt  }
0x51: {  	_ =	shalt  }
0x52: {  	_ =	shalt  }
0x53: {  	_ =	shalt  }
0x54: {  	_ =	shalt  }
0x55: {  	_ =	shalt  }
0x56: {  	_ =	shalt  }
0x57: {  	_ =	shalt  }
0x58: {  	_ =	shalt  }
0x59: {  	_ =	shalt  }
0x5a: {  	_ =	shalt  }
0x5b: {  	_ =	shalt  }
0x5c: {  	_ =	shalt  }
0x5d: {  	_ =	shalt  }
0x5e: {  	_ =	shalt  }
0x5f: {  	_ =	shalt  }
0x60: {  	_ =	shalt  }
0x61: {  	_ =	shalt  }
0x62: {  	_ =	shalt  }
0x63: {  	_ =	shalt  }
0x64: {  	_ =	shalt  }
0x65: {  	_ =	shalt  }
0x66: {  	_ =	shalt  }
0x67: {  	_ =	shalt  }
0x68: {  	_ =	shalt  }
0x69: {  	_ =	shalt  }
0x6a: {  	_ =	shalt  }
0x6b: {  	_ =	shalt  }
0x6c: {  	_ =	shalt  }
0x6d: {  	_ =	shalt  }
0x6e: {  	_ =	shalt  }
0x6f: {  	_ =	shalt  }
0x70: {  	_ =	shalt  }
0x71: {  	_ =	shalt  }
0x72: {  	_ =	shalt  }
0x73: {  	_ =	shalt  }
0x74: {  	_ =	shalt  }
0x75: {  	_ =	shalt  }
0x76: {  	_ =	shalt  }
0x77: {  	_ =	shalt  }
0x78: {  	_ =	shalt  }
0x79: {  	_ =	shalt  }
0x7a: {  	_ =	shalt  }
0x7b: {  	_ =	shalt  }
0x7c: {  	_ =	shalt  }
0x7d: {  	_ =	shalt  }
0x7e: {  	_ =	shalt  }
0x7f: {  	_ =	shalt  }
0x80: {  	_ =	shalt  }
0x81: {  	_ =	shalt  }
0x82: {  	_ =	shalt  }
0x83: {  	_ =	shalt  }
0x84: {  	_ =	shalt  }
0x85: {  	_ =	shalt  }
0x86: {  	_ =	shalt  }
0x87: {  	_ =	shalt  }
.Lfunc_end0:
.L_simem_size_0:
called_computation.3_lowered:
.L_overlay_start_0:
0x88: {  	s2 =	sld [smem:$0x3FD9]  }
0x89: {  	s3 =	sld [smem:$0x3FFE];
	_ =	sdelay $0x1  }
0x8a: {  	s1 =	srdreg.scid  }
0x8b: {  	s0 =	sand.u32 $0x1, s1  }
0x8c: {  	s14 =	sshll.u32 s0, $0xA;
	s2 =	sadd.s32 s3, s2  }
0x8d: {  	s2 =	sadd.s32 s2, s14  }
0x8e: {  	[smem:$0x3FC6] =	sst s2  }
0x8f: {  	_ = 	snop  }
0x90: {  	s2 =	sld [smem:$0x3FD0];
	_ =	sdelay $0x2  }
0x91: {  	s15 =	simm.s32 $0xA;
	s4 =	simm.s32 $0x10  }
0x92: {  	[smem:s4], [sflag:s15] =	dma.local [hbm:s2], $0x1  }
0x93: {  	_ =	swait.eq [sflag:s15], $0x1  }
0x94: {  	[sflag:s15] =	ssyncset.done $0x0  }
0x95: {  	[sflag:s15] =	ssyncadd.s32 $0xFFFFFFFF  }
0x96: {  	s16 =	sld [smem:$0x10];
	(tm) =	ssettm $0x1  }
0x97: {  	s17 =	sld [smem:$0x3FFB];
	_ =	sdelay $0x3  }
0x98: {  	_ =	strace s17  }
0x99: {  	s3 =	sld [smem:$0x3FFC];
	_ =	sdelay $0x3  }
0x9a: {  	_ =	strace s3  }
0x9b: {  	s3 =	sld [smem:$0x3FFD];
	_ =	sdelay $0x3  }
0x9c: {  	_ =	strace s3  }
0x9d: {  	_ =	strace $0x8FFFFFFF  }
0x9e: {  	s18 =	sld [smem:$0x3FDB];
	_ =	sdelay $0x1  }
0x9f: {  	s19 =	simm.s32 $_scs_section_size  }
0xa0: {  	s5 =	simm.s32 $_size__tile_overlayer_lowered;
	s6 =	simm.s32 $_tile_overlayer_lowered  }
0xa1: {  	s22 =	simm.s32 $0x1BFF;
	s21 =	sshll.u32 s6, $0x1;
	s3 =	sadd.s32 s19, s18  }
0xa2: {  	s7 =	simm.s32 $0x0;
	s20 =	sshll.u32 s5, $0x1;
	s5 =	sadd.s32 s21, s3  }
0xa3: {  	[timem:s7], [sflag:s22] =	dma.local [hbm:s5], s20  }
0xa4: {  	_ =	swait.ge [sflag:s22], s20  }
0xa5: {  	s4 =	ssub.s32 $0x0, s20;
	[sflag:s22] =	ssyncset.done $0x0  }
0xa6: {  	[sflag:s22] =	ssyncadd.s32 s4;
	_ =	sdelay $0x1  }
0xa7: {  	s23 =	simm.s32 $0x1B8B  }
0xa8: {  	_ =	swait.ge [sflag:s23], $0x1  }
0xa9: {  	[sflag:s23] =	ssyncset.done $0x0  }
0xaa: {  	s25 =	simm.s32 $0x1B8E;
	s24 =	sld [smem:$0x3FFE];
	[sflag:s23] =	ssyncadd.s32 $0xFFFFFFFF  }
0xab: {  	s26 =	simm.s32 $execute0_lowered;
	[smem:$0x3FD2] =	sst s25  }
0xac: {  	s5 =	sshll.u32 s26, $0x1;
	_ =	strace $0x8000004F;
	[dreg:$0x1] =	wrdreg $0xFFFFFFFF  }
0xad: {  	s28 =	simm.s32 $_size_execute0_lowered;
	s3 =	sadd.s32 s3, s5;
	[dreg:$0x0] =	wrdreg $0x0  }
0xae: {  	s5 =	sshll.u32 s28, $0x1;
	[dreg:$0x2] =	wrdreg s3  }
0xaf: {  	[dreg:$0x3] =	wrdreg s5  }
0xb0: {  	[dreg:$0x4] =	wrdreg $0xC0  }
0xb1: {  	_ =	task [dreg:s7], $0x5FFFF  }
0xb2: {  	[dreg:$0x1] =	wrdreg $0xFFFFFFFF  }
0xb3: {  	[dreg:$0x0] =	wrdreg $0x60  }
0xb4: {  	[dreg:$0x2] =	wrdreg s24  }
0xb5: {  	[dreg:$0x3] =	wrdreg s16  }
0xb6: {  	[dreg:$0x4] =	wrdreg $0x9  }
0xb7: {  	_ =	task.clear_ibuf [dreg:s7], $0x5FFFF;
	_ =	strace $0x9000004F  }
0xb8: {  	s29 =	simm.s32 $0x9;
	_ =	strace $0x80000051  }
0xb9: {  	_ =	swait.ge [sflag:s29], $0x1  }
0xba: {  	[sflag:s29] =	ssyncadd.s32 $0xFFFFFFFF  }
0xbb: {  	_ =	strace $0x90000051  }
0xbc: {  	_ =	sfence  }
0xbd: {  	s30 =	sld [smem:$0x0];
	_ =	sdelay $0x2  }
0xbe: {  	s31 =	sshll.u32 s1, $0xD;
	s1 =	sshrl.u32 s1, $0x2  }
0xbf: {  	s3 =	sand.u32 $0x4000, s31;
	s1 =	sadd.s32 s1, s30  }
0xc0: {  	s0 =	sor.u32 s3, s0;
	s1 =	sshll.u32 s1, $0x11  }
0xc1: {  	s0 =	sor.u32 s1, s0  }
0xc2: {  	s0 =	sadd.s32 $0x8F2B, s0  }
0xc3: {  	[sflag:s0] =	ssyncadd.remote.s32 $0x1  }
0xc4: {  	_ =	sfence.sel $0xFFFF  }
0xc5: {  	[dreg:$0x0] =	wrdreg $0xFFFFFFFF;
	(pc) =	sbr.abs _section_cstart, $3  }
0xc6: {  	[dreg:$0x1] =	wrdreg $0xFFFFFFFF  }
0xc7: {  	_ =	task.clear_ibuf [dreg:s7], $0x2FFFF;
	_ =	strace $0x9FFFFFFF  }
0xc8: {  	(tm) =	ssettm $0x7FFFFFFF  }
0xc9: {  	_ =	shalt  }
tec
execute0_lowered:
.L_overlay_start_1:
0x0: {  	(tag) =	ssettag $0x1  }
0x1: {  	s4 =	rddreg [dreg:$0x0]  }
0x2: {  	s5 =	rddreg [dreg:$0x1]  }
0x3: {  	s0 =	rddreg [dreg:$0x2];
	s2 =	simm.s32 $0x0;
	s3 =	srdreg.scid  }
0x4: {  	s1 =	stileid.u32;
	s10 =	simm.s32 $0x8100;
	s11 =	simm.s32 $0x100  }
0x5: {  	s12 =	simm.s32 $0x1;
	s13 =	simm.s32 $0x0;
	s6 =	sand.u32 $0x1, s3  }
0x6: {  	[smem:$0x7FF] =	sst s2;
	s7 =	sshll.u32 s1, $0x9;
	s8 =	sshll.u32 s6, $0x8  }
0x7: {  	s3 =	sadd.s32 $0x100600, s4;
	s6 =	ssub.s32 $0x2, s6;
	s7 =	sor.u32 s8, s7  }
0x8: {  	_ =	strace $0x80000050;
	s9 =	sshrl.u32 s6, $0x1;
	s8 =	sshll.u32 s7, $0x4  }
0x9: {  	s7 =	sshrl.u32 s7, $0x3;
	s9 =	ssub.s32 s6, s9;
	s8 =	sadd.s32 s8, s4  }
0xa: {  	s4 =	sadd.s32 s5, s7;
	s5 =	sadd.s32 $0x60600, s8;
	s6 =	sadd.s32 $0xE0600, s8  }
0xb: {  	s7 =	sadd.s32 $0xA0600, s8;
	s8 =	smax.u32 s9, $0x1;
	s9 =	simm.s32 $0x2  }
.LBB2_1:
0xc: {  	[tilespmem:s2], [sflag:$0x2] =	stream.linear.gather [hbm4b:s4+s2], $0x100, $0x38;
	[tilespmem:$0x10100] =	vst v63  }
0xd: {  	_ =	swait.ge [sflag:s9], $0x100  }
0xe: {  	[sflag:s9] =	ssyncset.done $0x0  }
0xf: {  	[sflag:s9] =	ssyncadd.s32 $0xFFFFFF00  }
0x10: {  	[tilespmem:s10], [sflag:$0x2] =	stream.linear.gather [hbm4b:s5+s2], $0x8000, $0x38;
	[tilespmem:$0x10100] =	vst v63  }
0x11: {  	_ =	swait.ge [sflag:s9], $0x8000  }
0x12: {  	[sflag:s9] =	ssyncset.done $0x0  }
0x13: {  	[sflag:s9] =	ssyncadd.s32 $0xFFFF8000  }
0x14: {  	[tilespmem:s11], [sflag:$0x1] =	stream.indirect.gather [hbm4b:s3+s11], $0x80, s2, s11, $0xb8;
	[tilespmem:$0x10100] =	vst v63  }
0x15: {  	_ =	swait.ge [sflag:s12], $0x8000  }
0x16: {  	[sflag:s12] =	ssyncset.done $0x0  }
0x17: {  	[sflag:s12] =	ssyncadd.s32 $0xFFFF8000  }
0x18: {  	[hbm4b:s6+s2] =	stream.linear.scatter [tilespmem:s11], [sflag:$0x2], $0x8000, $0x38;
	[tilespmem:$0x10100] =	vst v63  }
0x19: {  	_ =	swait.ge [sflag:s9], $0x8000  }
0x1a: {  	[sflag:s9] =	ssyncset.done $0x0  }
0x1b: {  	s14 =	simm.s32 $0x0;
	[sflag:s9] =	ssyncadd.s32 $0xFFFF8000  }
0x1c: {  	v1 =	vld [tilespmem:s14+$0x100]  }
0x1d: {  	v6 =	vld [tilespmem:s14+$0x110]  }
0x1e: {  	v5 =	vld [tilespmem:s14+$0x120]  }
0x1f: {  	v3 =	vld [tilespmem:s14+$0x130]  }
0x20: {  	v4 =	vld [tilespmem:s14+$0x8100]  }
0x21: {  	v2 =	vld [tilespmem:s14+$0x8110]  }
0x22: {  	s15 =	simm.s32 $0x200;
	v0 =	vld [tilespmem:s14+$0x8120]  }
.LBB2_2:
0x23: {  	p0 =	sne.s32 s15, $0x1FE00;
	v7 =	vld [tilespmem:s14+$0x8130];
	_ =	sdelay $0x1  }
0x24: {  	v1 =	vsub.f32 v1, v4  }
0x25: {  	v6 =	vsub.f32 v6, v2  }
0x26: {  	s16 =	sshra.s32 s15, $0x2;
	v8 =	vadd.f32 v1, v4;
	v5 =	vsub.f32 v5, v0  }
0x27: {  	v1 =	vld [tilespmem:s16+$0x100];
	v9 =	vadd.f32 v6, v2;
	v3 =	vsub.f32 v3, v7  }
0x28: {  	v6 =	vld [tilespmem:s16+$0x110];
	v4 =	vsub.f32 v4, v8;
	v8 =	vadd.f32 v5, v0  }
.Ltmp0:
0x29: {  	v5 =	vld [tilespmem:s16+$0x120];
	v2 =	vsub.f32 v2, v9;
	v9 =	vadd.f32 v3, v7;
	(pc) =	sbr.rel @p0 .LBB2_2-.Ltmp0, $4  }
0x2a: {  	v3 =	vld [tilespmem:s16+$0x130];
	[tilespmem:s14+$0x8100] =	vst v4;
	v0 =	vsub.f32 v0, v8  }
0x2b: {  	v4 =	vld [tilespmem:s16+$0x8100];
	[tilespmem:s14+$0x8110] =	vst v2;
	v7 =	vsub.f32 v7, v9  }
0x2c: {  	v2 =	vld [tilespmem:s16+$0x8110];
	[tilespmem:s14+$0x8120] =	vst v0  }
0x2d: {  	s15 =	sadd.s32 $0x200, s15;
	v0 =	vld [tilespmem:s16+$0x8120];
	[tilespmem:s14+$0x8130] =	vst v7;
	s14 =	smov.u32 s16  }
0x2e: {  	v7 =	vld [tilespmem:s14+$0x8130];
	_ =	sdelay $0x1  }
0x2f: {  	v1 =	vsub.f32 v1, v4  }
0x30: {  	v6 =	vsub.f32 v6, v2  }
0x31: {  	v1 =	vadd.f32 v1, v4;
	v5 =	vsub.f32 v5, v0  }
0x32: {  	v6 =	vadd.f32 v6, v2;
	v3 =	vsub.f32 v3, v7  }
0x33: {  	v1 =	vsub.f32 v4, v1;
	v62 =	vadd.f32 v5, v0  }
0x34: {  	v2 =	vsub.f32 v2, v6;
	v3 =	vadd.f32 v3, v7  }
0x35: {  	[tilespmem:s14+$0x8100] =	vst v1;
	v0 =	vsub.f32 v0, v62  }
0x36: {  	s13 =	sadd.s32 $0x1, s13;
	[tilespmem:s14+$0x8110] =	vst v2;
	v63 =	vsub.f32 v7, v3  }
0x37: {  	p0 =	sne.s32 s13, s8;
	[tilespmem:s14+$0x8120] =	vst v0  }
.Ltmp1:
0x38: {  	[tilespmem:s14+$0x8130] =	vst v63;
	(pc) =	sbr.rel @p0 .LBB2_1-.Ltmp1, $4  }
0x39: {  	[hbm4b:s7+s2] =	stream.linear.scatter [tilespmem:s10], [sflag:$0x2], $0x8000, $0x38;
	[tilespmem:$0x10100] =	vst v63  }
0x3a: {  	_ =	swait.ge [sflag:s9], $0x8000  }
0x3b: {  	[sflag:s9] =	ssyncset.done $0x0  }
0x3c: {  	[sflag:s9] =	ssyncadd.s32 $0xFFFF8000  }
0x3d: {  	_ =	sfence.sel $0x180000  }
0x3e: {  	[bflag:$0x0] =	sbarrier.arrive $0xFFFF  }
0x3f: {  	p0 =	sne.s32 s1, $0x0;
	_ =	strace $0x90000050  }
0x40: {  	s0 =	sadd.s32 @!p0 $0x100000, s0;
	[bflag:$0x2] =	sbarrier.arrive $0xFFFF  }
0x41: {  	[sflag:s0] =	ssyncadd.tile.s32 @!p0 $0x1;
	_ =	shalt  }
.Lfunc_end2:
_tile_overlayer_lowered:
.L_overlay_start_2:
0x42: {  	(tag) =	ssettag $0x2  }
0x43: {  	s0 =	rddreg [dreg:$0x0];
	s2 =	stileid.u32  }
0x44: {  	s1 =	rddreg [dreg:$0x1];
	p0 =	sne.s32 s2, $0x0  }
0x45: {  	s3 =	rddreg [dreg:$0x2];
	[bflag:$0x3] =	sbarrier.arrive $0xFFFF;
	s2 =	simm.s32 @!p0 $0x1C02  }
0x46: {  	[timem:s3], [sflag:s2] =	dma.local @!p0 [hbm:s0], s1  }
0x47: {  	s0 =	simm.s32 @!p0 $0x2  }
0x48: {  	_ =	swait.ge @!p0 [sflag:s0], s1  }
0x49: {  	s1 =	ssub.s32 @!p0 $0x0, s1;
	[sflag:s0] =	ssyncset.done @!p0 $0x0  }
0x4a: {  	[sflag:s0] =	ssyncadd.s32 @!p0 s1  }
0x4b: {  	[bflag:$0x3] =	sbarrier.arrive $0xFFFF  }
0x4c: {  	_ =	shalt  }

</sc_bundles>
